<compile_context>
chip_gen: v7x
topology: tpu7x:2x2x1
jax: 0.10.2.dev20260603
libtpu: 0.0.44.dev20260713+nightly
codegen_flags: <defaults>
</compile_context>

<pallas_src>
import functools

import jax
import jax.numpy as jnp
from jax import lax
from jax.experimental import pallas as pl
from jax.experimental.pallas import tpu as pltpu
from jax.experimental.pallas import tpu_sc as plsc

_BATCH = 16384
_L = 16
_NC = 2
_NS = 16
_NW = _NC * _NS
_B_PER_W = _BATCH // _NW
_CHUNK = 128
_NCHUNK = _B_PER_W // _CHUNK

_mesh = plsc.VectorSubcoreMesh(core_axis_name="c", subcore_axis_name="s")


@functools.partial(
    pl.kernel,
    mesh=_mesh,
    out_type=jax.ShapeDtypeStruct((_NW * _L,), jnp.float32),
    scratch_types=[
        pltpu.VMEM((_B_PER_W,), jnp.int32),
        pltpu.VMEM((_B_PER_W,), jnp.float32),
        pltpu.VMEM((_B_PER_W,), jnp.float32),
        pltpu.VMEM((_B_PER_W,), jnp.float32),
        pltpu.VMEM((_L,), jnp.float32),
        pltpu.VMEM((_L,), jnp.float32),
        pltpu.SemaphoreType.DMA,
        pltpu.SemaphoreType.DMA,
        pltpu.SemaphoreType.DMA,
        pltpu.SemaphoreType.DMA,
        pltpu.SemaphoreType.DMA,
    ],
)
def _sc_gather_sum(idx_hbm, a_hbm, b_hbm, c_hbm, m_hbm, out_hbm,
                   idx_v, av, bv, cv, mv, pv,
                   sem0, sem1, sem2, sem3, sem4):
    cid = lax.axis_index("c")
    sid = lax.axis_index("s")
    wid = sid * _NC + cid
    sems = (sem0, sem1, sem2, sem3)

    m_copy = pltpu.async_copy(m_hbm, mv.at[pl.ds(0, 1)], sem4)

    idx_copies = [
        pltpu.async_copy(
            idx_hbm.at[pl.ds(wid * _B_PER_W + j * _CHUNK, _CHUNK)],
            idx_v.at[pl.ds(j * _CHUNK, _CHUNK)], sems[j])
        for j in range(_NCHUNK)
    ]

    copies = []
    for j in range(_NCHUNK):
        s = pl.ds(j * _CHUNK, _CHUNK)
        idx_copies[j].wait()
        copies.append((pltpu.async_copy(a_hbm.at[idx_v.at[s]], av.at[s], sems[j]),
                       pltpu.async_copy(b_hbm.at[idx_v.at[s]], bv.at[s], sems[j]),
                       pltpu.async_copy(c_hbm.at[idx_v.at[s]], cv.at[s], sems[j])))
    acc_ac = jnp.zeros((_L,), jnp.float32)
    acc_b = jnp.zeros((_L,), jnp.float32)
    for j in range(_NCHUNK):
        for cp in copies[j]:
            cp.wait()

        def body(i, accs):
            a_ac, a_b = accs
            s = pl.ds(j * _CHUNK + i * _L, _L)
            return a_ac + av[s] + cv[s], a_b + bv[s]

        acc_ac, acc_b = lax.fori_loop(0, _CHUNK // _L, body,
                                      (acc_ac, acc_b), unroll=2)

    m_copy.wait()
    m = mv[...][0]
    pv[...] = acc_ac * m + acc_b
    pltpu.sync_copy(pv, out_hbm.at[pl.ds(wid * _L, _L)])


def kernel(c_t_indices, M_prev, A, B, C):
    m1 = jnp.reshape(M_prev, (1,)).astype(jnp.float32)
    partials = _sc_gather_sum(c_t_indices.astype(jnp.int32), A, B, C, m1)
    return jnp.sum(partials)

# --- scband reference (transcript-rebuilt; emitter-appended) ---
"""Pipeline reference for scband-metric-simulator-6811818131791 (READ-ONLY COPY).

The authoritative reference and input builder live on the scoring server;
editing this copy changes nothing except your own understanding.
"""

import jax, jax.numpy as jnp
import numpy as np

NUM_SAMPLES = 100000
BATCH = 16384

def setup_inputs(seed: int = 0) -> dict:
    key = jax.random.key(seed)
    k1, k2, k3, k4, k5 = jax.random.split(key, 5)
    A = jax.random.normal(k1, (NUM_SAMPLES,), dtype=jnp.float32)
    B = jax.random.normal(k2, (NUM_SAMPLES,), dtype=jnp.float32)
    C = jax.random.normal(k3, (NUM_SAMPLES,), dtype=jnp.float32)
    c_t_indices = jax.random.randint(k4, (BATCH,), 0, NUM_SAMPLES, dtype=jnp.int64 if jax.config.read('jax_enable_x64') else jnp.int32)
    M_prev = jax.random.uniform(k5, (), dtype=jnp.float32)
    return {"c_t_indices": c_t_indices, "M_prev": M_prev, "A": A, "B": B, "C": C}

def reference(c_t_indices, M_prev, A, B, C):
    # gather rows from 1-D parameter tables (embedding lookup with embed_dim=1)
    alpha = jnp.take(A, c_t_indices, axis=0).sum()
    beta = jnp.take(B, c_t_indices, axis=0).sum()
    gamma = jnp.take(C, c_t_indices, axis=0).sum()
    M_pred = alpha * M_prev + gamma * M_prev + beta
    return M_pred

if __name__ == "__main__":
    import jax
    _d = setup_inputs()
    print(jax.jit(kernel)(*tuple(_d.values())))

</pallas_src>

<mosaic_0001>
#map = affine_map<(d0, d1) -> (0)>
module attributes {stable_mosaic.version = 14 : i64} {
  func.func @_sc_gather_sum(%arg0: i32, %arg1: i32, %arg2: memref<16384xi32, #tpu.memory_space<hbm>>, %arg3: memref<100000xf32, #tpu.memory_space<hbm>>, %arg4: memref<100000xf32, #tpu.memory_space<hbm>>, %arg5: memref<100000xf32, #tpu.memory_space<hbm>>, %arg6: memref<1xf32, #tpu.memory_space<hbm>>, %arg7: memref<512xf32, #tpu.memory_space<hbm>>, %arg8: memref<512xi32, #tpu.memory_space<vmem>>, %arg9: memref<512xf32, #tpu.memory_space<vmem>>, %arg10: memref<512xf32, #tpu.memory_space<vmem>>, %arg11: memref<512xf32, #tpu.memory_space<vmem>>, %arg12: memref<16xf32, #tpu.memory_space<vmem>>, %arg13: memref<16xf32, #tpu.memory_space<vmem>>, %arg14: memref<!tpu.dma_semaphore, #tpu.memory_space<semaphore_mem>>, %arg15: memref<!tpu.dma_semaphore, #tpu.memory_space<semaphore_mem>>, %arg16: memref<!tpu.dma_semaphore, #tpu.memory_space<semaphore_mem>>, %arg17: memref<!tpu.dma_semaphore, #tpu.memory_space<semaphore_mem>>, %arg18: memref<!tpu.dma_semaphore, #tpu.memory_space<semaphore_mem>>) attributes {dimension_semantics = [#tpu.dimension_semantics<core_parallel>, #tpu.dimension_semantics<subcore_parallel>], iteration_bounds = array<i64: 2, 16>, scalar_prefetch = 0 : i64, scratch_operands = 11 : i64, tpu.core_type = #tpu.core_type<sc_vector_subcore>, window_params = [{transform_indices = #map}, {transform_indices = #map}, {transform_indices = #map}, {transform_indices = #map}, {transform_indices = #map}, {transform_indices = #map}]} {
    %mul3A = arith.constant 2 : i32
    %mul3A_0 = arith.muli %arg1, %mul3A : i32
    %add3A = arith.addi %mul3A_0, %arg0 : i32
    %dma_start3A = arith.constant 0 : i32
    %dma_start3A_1 = tpu.memref_slice %arg12[%dma_start3A] : memref<16xf32, #tpu.memory_space<vmem>> -> memref<1xf32, #tpu.memory_space<vmem>>
    %dma_start3A_2 = arith.constant 0 : i32
    %dma_start3A_3 = tpu.memref_slice %arg12[%dma_start3A_2] : memref<16xf32, #tpu.memory_space<vmem>> -> memref<1xf32, #tpu.memory_space<vmem>>
    tpu.enqueue_dma source(%arg6 : memref<1xf32, #tpu.memory_space<hbm>>) target(%dma_start3A_3 : memref<1xf32, #tpu.memory_space<vmem>>) target_semaphore(%arg18 : memref<!tpu.dma_semaphore, #tpu.memory_space<semaphore_mem>>)
    %mul3A_4 = arith.constant 512 : i32
    %mul3A_5 = arith.muli %add3A, %mul3A_4 : i32
    %add3A_6 = arith.constant 0 : i32
    %add3A_7 = arith.addi %mul3A_5, %add3A_6 : i32
    %dma_start3A_8 = arith.constant 0 : i32
    %dma_start3A_9 = tpu.memref_slice %arg8[%dma_start3A_8] : memref<512xi32, #tpu.memory_space<vmem>> -> memref<128xi32, #tpu.memory_space<vmem>>
    %dma_start3A_10 = tpu.memref_slice %arg2[%add3A_7] : memref<16384xi32, #tpu.memory_space<hbm>> -> memref<128xi32, #tpu.memory_space<hbm>>
    %dma_start3A_11 = arith.constant 0 : i32
    %dma_start3A_12 = tpu.memref_slice %arg8[%dma_start3A_11] : memref<512xi32, #tpu.memory_space<vmem>> -> memref<128xi32, #tpu.memory_space<vmem>>
    %dma_start3A_13 = tpu.memref_slice %arg2[%add3A_7] : memref<16384xi32, #tpu.memory_space<hbm>> -> memref<128xi32, #tpu.memory_space<hbm>>
    tpu.enqueue_dma source(%dma_start3A_13 : memref<128xi32, #tpu.memory_space<hbm>>) target(%dma_start3A_12 : memref<128xi32, #tpu.memory_space<vmem>>) target_semaphore(%arg14 : memref<!tpu.dma_semaphore, #tpu.memory_space<semaphore_mem>>)
    %mul3A_14 = arith.constant 512 : i32
    %mul3A_15 = arith.muli %add3A, %mul3A_14 : i32
    %add3A_16 = arith.constant 128 : i32
    %add3A_17 = arith.addi %mul3A_15, %add3A_16 : i32
    %dma_start3A_18 = arith.constant 128 : i32
    %dma_start3A_19 = tpu.memref_slice %arg8[%dma_start3A_18] : memref<512xi32, #tpu.memory_space<vmem>> -> memref<128xi32, #tpu.memory_space<vmem>>
    %dma_start3A_20 = tpu.memref_slice %arg2[%add3A_17] : memref<16384xi32, #tpu.memory_space<hbm>> -> memref<128xi32, #tpu.memory_space<hbm>>
    %dma_start3A_21 = arith.constant 128 : i32
    %dma_start3A_22 = tpu.memref_slice %arg8[%dma_start3A_21] : memref<512xi32, #tpu.memory_space<vmem>> -> memref<128xi32, #tpu.memory_space<vmem>>
    %dma_start3A_23 = tpu.memref_slice %arg2[%add3A_17] : memref<16384xi32, #tpu.memory_space<hbm>> -> memref<128xi32, #tpu.memory_space<hbm>>
    tpu.enqueue_dma source(%dma_start3A_23 : memref<128xi32, #tpu.memory_space<hbm>>) target(%dma_start3A_22 : memref<128xi32, #tpu.memory_space<vmem>>) target_semaphore(%arg15 : memref<!tpu.dma_semaphore, #tpu.memory_space<semaphore_mem>>)
    %mul3A_24 = arith.constant 512 : i32
    %mul3A_25 = arith.muli %add3A, %mul3A_24 : i32
    %add3A_26 = arith.constant 256 : i32
    %add3A_27 = arith.addi %mul3A_25, %add3A_26 : i32
    %dma_start3A_28 = arith.constant 256 : i32
    %dma_start3A_29 = tpu.memref_slice %arg8[%dma_start3A_28] : memref<512xi32, #tpu.memory_space<vmem>> -> memref<128xi32, #tpu.memory_space<vmem>>
    %dma_start3A_30 = tpu.memref_slice %arg2[%add3A_27] : memref<16384xi32, #tpu.memory_space<hbm>> -> memref<128xi32, #tpu.memory_space<hbm>>
    %dma_start3A_31 = arith.constant 256 : i32
    %dma_start3A_32 = tpu.memref_slice %arg8[%dma_start3A_31] : memref<512xi32, #tpu.memory_space<vmem>> -> memref<128xi32, #tpu.memory_space<vmem>>
    %dma_start3A_33 = tpu.memref_slice %arg2[%add3A_27] : memref<16384xi32, #tpu.memory_space<hbm>> -> memref<128xi32, #tpu.memory_space<hbm>>
    tpu.enqueue_dma source(%dma_start3A_33 : memref<128xi32, #tpu.memory_space<hbm>>) target(%dma_start3A_32 : memref<128xi32, #tpu.memory_space<vmem>>) target_semaphore(%arg16 : memref<!tpu.dma_semaphore, #tpu.memory_space<semaphore_mem>>)
    %mul3A_34 = arith.constant 512 : i32
    %mul3A_35 = arith.muli %add3A, %mul3A_34 : i32
    %add3A_36 = arith.constant 384 : i32
    %add3A_37 = arith.addi %mul3A_35, %add3A_36 : i32
    %dma_start3A_38 = arith.constant 384 : i32
    %dma_start3A_39 = tpu.memref_slice %arg8[%dma_start3A_38] : memref<512xi32, #tpu.memory_space<vmem>> -> memref<128xi32, #tpu.memory_space<vmem>>
    %dma_start3A_40 = tpu.memref_slice %arg2[%add3A_37] : memref<16384xi32, #tpu.memory_space<hbm>> -> memref<128xi32, #tpu.memory_space<hbm>>
    %dma_start3A_41 = arith.constant 384 : i32
    %dma_start3A_42 = tpu.memref_slice %arg8[%dma_start3A_41] : memref<512xi32, #tpu.memory_space<vmem>> -> memref<128xi32, #tpu.memory_space<vmem>>
    %dma_start3A_43 = tpu.memref_slice %arg2[%add3A_37] : memref<16384xi32, #tpu.memory_space<hbm>> -> memref<128xi32, #tpu.memory_space<hbm>>
    tpu.enqueue_dma source(%dma_start3A_43 : memref<128xi32, #tpu.memory_space<hbm>>) target(%dma_start3A_42 : memref<128xi32, #tpu.memory_space<vmem>>) target_semaphore(%arg17 : memref<!tpu.dma_semaphore, #tpu.memory_space<semaphore_mem>>)
    %dma_wait3A = arith.constant 0 : i32
    %dma_wait3A_44 = tpu.memref_slice %arg8[%dma_wait3A] : memref<512xi32, #tpu.memory_space<vmem>> -> memref<128xi32, #tpu.memory_space<vmem>>
    %dma_wait3A_45 = tpu.memref_slice %arg2[%add3A_7] : memref<16384xi32, #tpu.memory_space<hbm>> -> memref<128xi32, #tpu.memory_space<hbm>>
    %dma_wait3A_46 = arith.constant 0 : i32
    %dma_wait3A_47 = tpu.memref_slice %arg8[%dma_wait3A_46] : memref<512xi32, #tpu.memory_space<vmem>> -> memref<128xi32, #tpu.memory_space<vmem>>
    %dma_wait3A_48 = tpu.memref_slice %arg2[%add3A_7] : memref<16384xi32, #tpu.memory_space<hbm>> -> memref<128xi32, #tpu.memory_space<hbm>>
    tpu.wait_dma2 semaphore(%arg14 : memref<!tpu.dma_semaphore, #tpu.memory_space<semaphore_mem>>) src(%dma_wait3A_48 : memref<128xi32, #tpu.memory_space<hbm>>) dst(%dma_wait3A_47 : memref<128xi32, #tpu.memory_space<vmem>>)
    %dma_start3A_49 = arith.constant 0 : i32
    %dma_start3A_50 = tpu.memref_slice %arg9[%dma_start3A_49] : memref<512xf32, #tpu.memory_space<vmem>> -> memref<128xf32, #tpu.memory_space<vmem>>
    %dma_start3A_51 = arith.constant 0 : i32
    %dma_start3A_52 = tpu.memref_slice %arg8[%dma_start3A_51] : memref<512xi32, #tpu.memory_space<vmem>> -> memref<128xi32, #tpu.memory_space<vmem>>
    %dma_start3A_53 = arith.constant 0 : i32
    %dma_start3A_54 = tpu.memref_slice %arg3[%dma_start3A_53] : memref<100000xf32, #tpu.memory_space<hbm>> -> memref<100000xf32, #tpu.memory_space<hbm>>
    tpu.enqueue_indirect_dma source(%dma_start3A_54 : memref<100000xf32, #tpu.memory_space<hbm>>) target(%dma_start3A_50 : memref<128xf32, #tpu.memory_space<vmem>>) offsets(%dma_start3A_52 : memref<128xi32, #tpu.memory_space<vmem>>) semaphore(%arg14 : memref<!tpu.dma_semaphore, #tpu.memory_space<semaphore_mem>>)
    %dma_start3A_55 = arith.constant 0 : i32
    %dma_start3A_56 = tpu.memref_slice %arg10[%dma_start3A_55] : memref<512xf32, #tpu.memory_space<vmem>> -> memref<128xf32, #tpu.memory_space<vmem>>
    %dma_start3A_57 = arith.constant 0 : i32
    %dma_start3A_58 = tpu.memref_slice %arg8[%dma_start3A_57] : memref<512xi32, #tpu.memory_space<vmem>> -> memref<128xi32, #tpu.memory_space<vmem>>
    %dma_start3A_59 = arith.constant 0 : i32
    %dma_start3A_60 = tpu.memref_slice %arg4[%dma_start3A_59] : memref<100000xf32, #tpu.memory_space<hbm>> -> memref<100000xf32, #tpu.memory_space<hbm>>
    tpu.enqueue_indirect_dma source(%dma_start3A_60 : memref<100000xf32, #tpu.memory_space<hbm>>) target(%dma_start3A_56 : memref<128xf32, #tpu.memory_space<vmem>>) offsets(%dma_start3A_58 : memref<128xi32, #tpu.memory_space<vmem>>) semaphore(%arg14 : memref<!tpu.dma_semaphore, #tpu.memory_space<semaphore_mem>>)
    %dma_start3A_61 = arith.constant 0 : i32
    %dma_start3A_62 = tpu.memref_slice %arg11[%dma_start3A_61] : memref<512xf32, #tpu.memory_space<vmem>> -> memref<128xf32, #tpu.memory_space<vmem>>
    %dma_start3A_63 = arith.constant 0 : i32
    %dma_start3A_64 = tpu.memref_slice %arg8[%dma_start3A_63] : memref<512xi32, #tpu.memory_space<vmem>> -> memref<128xi32, #tpu.memory_space<vmem>>
    %dma_start3A_65 = arith.constant 0 : i32
    %dma_start3A_66 = tpu.memref_slice %arg5[%dma_start3A_65] : memref<100000xf32, #tpu.memory_space<hbm>> -> memref<100000xf32, #tpu.memory_space<hbm>>
    tpu.enqueue_indirect_dma source(%dma_start3A_66 : memref<100000xf32, #tpu.memory_space<hbm>>) target(%dma_start3A_62 : memref<128xf32, #tpu.memory_space<vmem>>) offsets(%dma_start3A_64 : memref<128xi32, #tpu.memory_space<vmem>>) semaphore(%arg14 : memref<!tpu.dma_semaphore, #tpu.memory_space<semaphore_mem>>)
    %dma_wait3A_67 = arith.constant 128 : i32
    %dma_wait3A_68 = tpu.memref_slice %arg8[%dma_wait3A_67] : memref<512xi32, #tpu.memory_space<vmem>> -> memref<128xi32, #tpu.memory_space<vmem>>
    %dma_wait3A_69 = tpu.memref_slice %arg2[%add3A_17] : memref<16384xi32, #tpu.memory_space<hbm>> -> memref<128xi32, #tpu.memory_space<hbm>>
    %dma_wait3A_70 = arith.constant 128 : i32
    %dma_wait3A_71 = tpu.memref_slice %arg8[%dma_wait3A_70] : memref<512xi32, #tpu.memory_space<vmem>> -> memref<128xi32, #tpu.memory_space<vmem>>
    %dma_wait3A_72 = tpu.memref_slice %arg2[%add3A_17] : memref<16384xi32, #tpu.memory_space<hbm>> -> memref<128xi32, #tpu.memory_space<hbm>>
    tpu.wait_dma2 semaphore(%arg15 : memref<!tpu.dma_semaphore, #tpu.memory_space<semaphore_mem>>) src(%dma_wait3A_72 : memref<128xi32, #tpu.memory_space<hbm>>) dst(%dma_wait3A_71 : memref<128xi32, #tpu.memory_space<vmem>>)
    %dma_start3A_73 = arith.constant 128 : i32
    %dma_start3A_74 = tpu.memref_slice %arg9[%dma_start3A_73] : memref<512xf32, #tpu.memory_space<vmem>> -> memref<128xf32, #tpu.memory_space<vmem>>
    %dma_start3A_75 = arith.constant 128 : i32
    %dma_start3A_76 = tpu.memref_slice %arg8[%dma_start3A_75] : memref<512xi32, #tpu.memory_space<vmem>> -> memref<128xi32, #tpu.memory_space<vmem>>
    %dma_start3A_77 = arith.constant 0 : i32
    %dma_start3A_78 = tpu.memref_slice %arg3[%dma_start3A_77] : memref<100000xf32, #tpu.memory_space<hbm>> -> memref<100000xf32, #tpu.memory_space<hbm>>
    tpu.enqueue_indirect_dma source(%dma_start3A_78 : memref<100000xf32, #tpu.memory_space<hbm>>) target(%dma_start3A_74 : memref<128xf32, #tpu.memory_space<vmem>>) offsets(%dma_start3A_76 : memref<128xi32, #tpu.memory_space<vmem>>) semaphore(%arg15 : memref<!tpu.dma_semaphore, #tpu.memory_space<semaphore_mem>>)
    %dma_start3A_79 = arith.constant 128 : i32
    %dma_start3A_80 = tpu.memref_slice %arg10[%dma_start3A_79] : memref<512xf32, #tpu.memory_space<vmem>> -> memref<128xf32, #tpu.memory_space<vmem>>
    %dma_start3A_81 = arith.constant 128 : i32
    %dma_start3A_82 = tpu.memref_slice %arg8[%dma_start3A_81] : memref<512xi32, #tpu.memory_space<vmem>> -> memref<128xi32, #tpu.memory_space<vmem>>
    %dma_start3A_83 = arith.constant 0 : i32
    %dma_start3A_84 = tpu.memref_slice %arg4[%dma_start3A_83] : memref<100000xf32, #tpu.memory_space<hbm>> -> memref<100000xf32, #tpu.memory_space<hbm>>
    tpu.enqueue_indirect_dma source(%dma_start3A_84 : memref<100000xf32, #tpu.memory_space<hbm>>) target(%dma_start3A_80 : memref<128xf32, #tpu.memory_space<vmem>>) offsets(%dma_start3A_82 : memref<128xi32, #tpu.memory_space<vmem>>) semaphore(%arg15 : memref<!tpu.dma_semaphore, #tpu.memory_space<semaphore_mem>>)
    %dma_start3A_85 = arith.constant 128 : i32
    %dma_start3A_86 = tpu.memref_slice %arg11[%dma_start3A_85] : memref<512xf32, #tpu.memory_space<vmem>> -> memref<128xf32, #tpu.memory_space<vmem>>
    %dma_start3A_87 = arith.constant 128 : i32
    %dma_start3A_88 = tpu.memref_slice %arg8[%dma_start3A_87] : memref<512xi32, #tpu.memory_space<vmem>> -> memref<128xi32, #tpu.memory_space<vmem>>
    %dma_start3A_89 = arith.constant 0 : i32
    %dma_start3A_90 = tpu.memref_slice %arg5[%dma_start3A_89] : memref<100000xf32, #tpu.memory_space<hbm>> -> memref<100000xf32, #tpu.memory_space<hbm>>
    tpu.enqueue_indirect_dma source(%dma_start3A_90 : memref<100000xf32, #tpu.memory_space<hbm>>) target(%dma_start3A_86 : memref<128xf32, #tpu.memory_space<vmem>>) offsets(%dma_start3A_88 : memref<128xi32, #tpu.memory_space<vmem>>) semaphore(%arg15 : memref<!tpu.dma_semaphore, #tpu.memory_space<semaphore_mem>>)
    %dma_wait3A_91 = arith.constant 256 : i32
    %dma_wait3A_92 = tpu.memref_slice %arg8[%dma_wait3A_91] : memref<512xi32, #tpu.memory_space<vmem>> -> memref<128xi32, #tpu.memory_space<vmem>>
    %dma_wait3A_93 = tpu.memref_slice %arg2[%add3A_27] : memref<16384xi32, #tpu.memory_space<hbm>> -> memref<128xi32, #tpu.memory_space<hbm>>
    %dma_wait3A_94 = arith.constant 256 : i32
    %dma_wait3A_95 = tpu.memref_slice %arg8[%dma_wait3A_94] : memref<512xi32, #tpu.memory_space<vmem>> -> memref<128xi32, #tpu.memory_space<vmem>>
    %dma_wait3A_96 = tpu.memref_slice %arg2[%add3A_27] : memref<16384xi32, #tpu.memory_space<hbm>> -> memref<128xi32, #tpu.memory_space<hbm>>
    tpu.wait_dma2 semaphore(%arg16 : memref<!tpu.dma_semaphore, #tpu.memory_space<semaphore_mem>>) src(%dma_wait3A_96 : memref<128xi32, #tpu.memory_space<hbm>>) dst(%dma_wait3A_95 : memref<128xi32, #tpu.memory_space<vmem>>)
    %dma_start3A_97 = arith.constant 256 : i32
    %dma_start3A_98 = tpu.memref_slice %arg9[%dma_start3A_97] : memref<512xf32, #tpu.memory_space<vmem>> -> memref<128xf32, #tpu.memory_space<vmem>>
    %dma_start3A_99 = arith.constant 256 : i32
    %dma_start3A_100 = tpu.memref_slice %arg8[%dma_start3A_99] : memref<512xi32, #tpu.memory_space<vmem>> -> memref<128xi32, #tpu.memory_space<vmem>>
    %dma_start3A_101 = arith.constant 0 : i32
    %dma_start3A_102 = tpu.memref_slice %arg3[%dma_start3A_101] : memref<100000xf32, #tpu.memory_space<hbm>> -> memref<100000xf32, #tpu.memory_space<hbm>>
    tpu.enqueue_indirect_dma source(%dma_start3A_102 : memref<100000xf32, #tpu.memory_space<hbm>>) target(%dma_start3A_98 : memref<128xf32, #tpu.memory_space<vmem>>) offsets(%dma_start3A_100 : memref<128xi32, #tpu.memory_space<vmem>>) semaphore(%arg16 : memref<!tpu.dma_semaphore, #tpu.memory_space<semaphore_mem>>)
    %dma_start3A_103 = arith.constant 256 : i32
    %dma_start3A_104 = tpu.memref_slice %arg10[%dma_start3A_103] : memref<512xf32, #tpu.memory_space<vmem>> -> memref<128xf32, #tpu.memory_space<vmem>>
    %dma_start3A_105 = arith.constant 256 : i32
    %dma_start3A_106 = tpu.memref_slice %arg8[%dma_start3A_105] : memref<512xi32, #tpu.memory_space<vmem>> -> memref<128xi32, #tpu.memory_space<vmem>>
    %dma_start3A_107 = arith.constant 0 : i32
    %dma_start3A_108 = tpu.memref_slice %arg4[%dma_start3A_107] : memref<100000xf32, #tpu.memory_space<hbm>> -> memref<100000xf32, #tpu.memory_space<hbm>>
    tpu.enqueue_indirect_dma source(%dma_start3A_108 : memref<100000xf32, #tpu.memory_space<hbm>>) target(%dma_start3A_104 : memref<128xf32, #tpu.memory_space<vmem>>) offsets(%dma_start3A_106 : memref<128xi32, #tpu.memory_space<vmem>>) semaphore(%arg16 : memref<!tpu.dma_semaphore, #tpu.memory_space<semaphore_mem>>)
    %dma_start3A_109 = arith.constant 256 : i32
    %dma_start3A_110 = tpu.memref_slice %arg11[%dma_start3A_109] : memref<512xf32, #tpu.memory_space<vmem>> -> memref<128xf32, #tpu.memory_space<vmem>>
    %dma_start3A_111 = arith.constant 256 : i32
    %dma_start3A_112 = tpu.memref_slice %arg8[%dma_start3A_111] : memref<512xi32, #tpu.memory_space<vmem>> -> memref<128xi32, #tpu.memory_space<vmem>>
    %dma_start3A_113 = arith.constant 0 : i32
    %dma_start3A_114 = tpu.memref_slice %arg5[%dma_start3A_113] : memref<100000xf32, #tpu.memory_space<hbm>> -> memref<100000xf32, #tpu.memory_space<hbm>>
    tpu.enqueue_indirect_dma source(%dma_start3A_114 : memref<100000xf32, #tpu.memory_space<hbm>>) target(%dma_start3A_110 : memref<128xf32, #tpu.memory_space<vmem>>) offsets(%dma_start3A_112 : memref<128xi32, #tpu.memory_space<vmem>>) semaphore(%arg16 : memref<!tpu.dma_semaphore, #tpu.memory_space<semaphore_mem>>)
    %dma_wait3A_115 = arith.constant 384 : i32
    %dma_wait3A_116 = tpu.memref_slice %arg8[%dma_wait3A_115] : memref<512xi32, #tpu.memory_space<vmem>> -> memref<128xi32, #tpu.memory_space<vmem>>
    %dma_wait3A_117 = tpu.memref_slice %arg2[%add3A_37] : memref<16384xi32, #tpu.memory_space<hbm>> -> memref<128xi32, #tpu.memory_space<hbm>>
    %dma_wait3A_118 = arith.constant 384 : i32
    %dma_wait3A_119 = tpu.memref_slice %arg8[%dma_wait3A_118] : memref<512xi32, #tpu.memory_space<vmem>> -> memref<128xi32, #tpu.memory_space<vmem>>
    %dma_wait3A_120 = tpu.memref_slice %arg2[%add3A_37] : memref<16384xi32, #tpu.memory_space<hbm>> -> memref<128xi32, #tpu.memory_space<hbm>>
    tpu.wait_dma2 semaphore(%arg17 : memref<!tpu.dma_semaphore, #tpu.memory_space<semaphore_mem>>) src(%dma_wait3A_120 : memref<128xi32, #tpu.memory_space<hbm>>) dst(%dma_wait3A_119 : memref<128xi32, #tpu.memory_space<vmem>>)
    %dma_start3A_121 = arith.constant 384 : i32
    %dma_start3A_122 = tpu.memref_slice %arg9[%dma_start3A_121] : memref<512xf32, #tpu.memory_space<vmem>> -> memref<128xf32, #tpu.memory_space<vmem>>
    %dma_start3A_123 = arith.constant 384 : i32
    %dma_start3A_124 = tpu.memref_slice %arg8[%dma_start3A_123] : memref<512xi32, #tpu.memory_space<vmem>> -> memref<128xi32, #tpu.memory_space<vmem>>
    %dma_start3A_125 = arith.constant 0 : i32
    %dma_start3A_126 = tpu.memref_slice %arg3[%dma_start3A_125] : memref<100000xf32, #tpu.memory_space<hbm>> -> memref<100000xf32, #tpu.memory_space<hbm>>
    tpu.enqueue_indirect_dma source(%dma_start3A_126 : memref<100000xf32, #tpu.memory_space<hbm>>) target(%dma_start3A_122 : memref<128xf32, #tpu.memory_space<vmem>>) offsets(%dma_start3A_124 : memref<128xi32, #tpu.memory_space<vmem>>) semaphore(%arg17 : memref<!tpu.dma_semaphore, #tpu.memory_space<semaphore_mem>>)
    %dma_start3A_127 = arith.constant 384 : i32
    %dma_start3A_128 = tpu.memref_slice %arg10[%dma_start3A_127] : memref<512xf32, #tpu.memory_space<vmem>> -> memref<128xf32, #tpu.memory_space<vmem>>
    %dma_start3A_129 = arith.constant 384 : i32
    %dma_start3A_130 = tpu.memref_slice %arg8[%dma_start3A_129] : memref<512xi32, #tpu.memory_space<vmem>> -> memref<128xi32, #tpu.memory_space<vmem>>
    %dma_start3A_131 = arith.constant 0 : i32
    %dma_start3A_132 = tpu.memref_slice %arg4[%dma_start3A_131] : memref<100000xf32, #tpu.memory_space<hbm>> -> memref<100000xf32, #tpu.memory_space<hbm>>
    tpu.enqueue_indirect_dma source(%dma_start3A_132 : memref<100000xf32, #tpu.memory_space<hbm>>) target(%dma_start3A_128 : memref<128xf32, #tpu.memory_space<vmem>>) offsets(%dma_start3A_130 : memref<128xi32, #tpu.memory_space<vmem>>) semaphore(%arg17 : memref<!tpu.dma_semaphore, #tpu.memory_space<semaphore_mem>>)
    %dma_start3A_133 = arith.constant 384 : i32
    %dma_start3A_134 = tpu.memref_slice %arg11[%dma_start3A_133] : memref<512xf32, #tpu.memory_space<vmem>> -> memref<128xf32, #tpu.memory_space<vmem>>
    %dma_start3A_135 = arith.constant 384 : i32
    %dma_start3A_136 = tpu.memref_slice %arg8[%dma_start3A_135] : memref<512xi32, #tpu.memory_space<vmem>> -> memref<128xi32, #tpu.memory_space<vmem>>
    %dma_start3A_137 = arith.constant 0 : i32
    %dma_start3A_138 = tpu.memref_slice %arg5[%dma_start3A_137] : memref<100000xf32, #tpu.memory_space<hbm>> -> memref<100000xf32, #tpu.memory_space<hbm>>
    tpu.enqueue_indirect_dma source(%dma_start3A_138 : memref<100000xf32, #tpu.memory_space<hbm>>) target(%dma_start3A_134 : memref<128xf32, #tpu.memory_space<vmem>>) offsets(%dma_start3A_136 : memref<128xi32, #tpu.memory_space<vmem>>) semaphore(%arg17 : memref<!tpu.dma_semaphore, #tpu.memory_space<semaphore_mem>>)
    %broadcast_in_dim3A = arith.constant 0.000000e+00 : f32
    %broadcast_in_dim3A_139 = vector.broadcast %broadcast_in_dim3A : f32 to vector<16xf32>
    %broadcast_in_dim3A_140 = arith.constant 0.000000e+00 : f32
    %broadcast_in_dim3A_141 = vector.broadcast %broadcast_in_dim3A_140 : f32 to vector<16xf32>
    %dma_wait3A_142 = arith.constant 0 : i32
    %dma_wait3A_143 = tpu.memref_slice %arg9[%dma_wait3A_142] : memref<512xf32, #tpu.memory_space<vmem>> -> memref<128xf32, #tpu.memory_space<vmem>>
    %dma_wait3A_144 = arith.constant 0 : i32
    %dma_wait3A_145 = tpu.memref_slice %arg8[%dma_wait3A_144] : memref<512xi32, #tpu.memory_space<vmem>> -> memref<128xi32, #tpu.memory_space<vmem>>
    %dma_wait3A_146 = arith.constant 0 : i32
    %dma_wait3A_147 = tpu.memref_slice %arg3[%dma_wait3A_146] : memref<100000xf32, #tpu.memory_space<hbm>> -> memref<100000xf32, #tpu.memory_space<hbm>>
    tpu.wait_indirect_dma semaphore(%arg14 : memref<!tpu.dma_semaphore, #tpu.memory_space<semaphore_mem>>) src(%dma_wait3A_147 : memref<100000xf32, #tpu.memory_space<hbm>>) dst(%dma_wait3A_143 : memref<128xf32, #tpu.memory_space<vmem>>)
    %dma_wait3A_148 = arith.constant 0 : i32
    %dma_wait3A_149 = tpu.memref_slice %arg10[%dma_wait3A_148] : memref<512xf32, #tpu.memory_space<vmem>> -> memref<128xf32, #tpu.memory_space<vmem>>
    %dma_wait3A_150 = arith.constant 0 : i32
    %dma_wait3A_151 = tpu.memref_slice %arg8[%dma_wait3A_150] : memref<512xi32, #tpu.memory_space<vmem>> -> memref<128xi32, #tpu.memory_space<vmem>>
    %dma_wait3A_152 = arith.constant 0 : i32
    %dma_wait3A_153 = tpu.memref_slice %arg4[%dma_wait3A_152] : memref<100000xf32, #tpu.memory_space<hbm>> -> memref<100000xf32, #tpu.memory_space<hbm>>
    tpu.wait_indirect_dma semaphore(%arg14 : memref<!tpu.dma_semaphore, #tpu.memory_space<semaphore_mem>>) src(%dma_wait3A_153 : memref<100000xf32, #tpu.memory_space<hbm>>) dst(%dma_wait3A_149 : memref<128xf32, #tpu.memory_space<vmem>>)
    %dma_wait3A_154 = arith.constant 0 : i32
    %dma_wait3A_155 = tpu.memref_slice %arg11[%dma_wait3A_154] : memref<512xf32, #tpu.memory_space<vmem>> -> memref<128xf32, #tpu.memory_space<vmem>>
    %dma_wait3A_156 = arith.constant 0 : i32
    %dma_wait3A_157 = tpu.memref_slice %arg8[%dma_wait3A_156] : memref<512xi32, #tpu.memory_space<vmem>> -> memref<128xi32, #tpu.memory_space<vmem>>
    %dma_wait3A_158 = arith.constant 0 : i32
    %dma_wait3A_159 = tpu.memref_slice %arg5[%dma_wait3A_158] : memref<100000xf32, #tpu.memory_space<hbm>> -> memref<100000xf32, #tpu.memory_space<hbm>>
    tpu.wait_indirect_dma semaphore(%arg14 : memref<!tpu.dma_semaphore, #tpu.memory_space<semaphore_mem>>) src(%dma_wait3A_159 : memref<100000xf32, #tpu.memory_space<hbm>>) dst(%dma_wait3A_155 : memref<128xf32, #tpu.memory_space<vmem>>)
    %scan3A = arith.constant 0 : i32
    %scan3A_160 = arith.constant 8 : i32
    %scan3A_161 = arith.addi %scan3A, %scan3A_160 : i32
    %scan3A_162 = arith.constant 2 : i32
    %scan3A_163:2 = scf.for %scan3A_251 = %scan3A to %scan3A_161 step %scan3A_162 iter_args(%scan3A_252 = %broadcast_in_dim3A_139, %scan3A_253 = %broadcast_in_dim3A_141) -> (vector<16xf32>, vector<16xf32>)  : i32 {
      %mul3A_254 = arith.constant 16 : i32
      %mul3A_255 = arith.muli %scan3A_251, %mul3A_254 : i32
      %add3A_256 = arith.constant 0 : i32
      %add3A_257 = arith.addi %add3A_256, %mul3A_255 : i32
      %get3A_258 = arith.index_cast %add3A_257 : i32 to index
      %get3A_259 = tpu.vector_load %arg9[%get3A_258] {strides = array<i32>} : memref<512xf32, #tpu.memory_space<vmem>>, vector<16xf32>,
      %get3A_260 = vector.shape_cast %get3A_259 : vector<16xf32> to vector<16xf32>
      %add3A_261 = arith.addf %scan3A_252, %get3A_260 : vector<16xf32>
      %get3A_262 = arith.index_cast %add3A_257 : i32 to index
      %get3A_263 = tpu.vector_load %arg11[%get3A_262] {strides = array<i32>} : memref<512xf32, #tpu.memory_space<vmem>>, vector<16xf32>,
      %get3A_264 = vector.shape_cast %get3A_263 : vector<16xf32> to vector<16xf32>
      %add3A_265 = arith.addf %add3A_261, %get3A_264 : vector<16xf32>
      %get3A_266 = arith.index_cast %add3A_257 : i32 to index
      %get3A_267 = tpu.vector_load %arg10[%get3A_266] {strides = array<i32>} : memref<512xf32, #tpu.memory_space<vmem>>, vector<16xf32>,
      %get3A_268 = vector.shape_cast %get3A_267 : vector<16xf32> to vector<16xf32>
      %add3A_269 = arith.addf %scan3A_253, %get3A_268 : vector<16xf32>
      %scan3A_270 = arith.constant 1 : i32
      %scan3A_271 = arith.addi %scan3A_251, %scan3A_270 : i32
      %mul3A_272 = arith.constant 16 : i32
      %mul3A_273 = arith.muli %scan3A_271, %mul3A_272 : i32
      %add3A_274 = arith.constant 0 : i32
      %add3A_275 = arith.addi %add3A_274, %mul3A_273 : i32
      %get3A_276 = arith.index_cast %add3A_275 : i32 to index
      %get3A_277 = tpu.vector_load %arg9[%get3A_276] {strides = array<i32>} : memref<512xf32, #tpu.memory_space<vmem>>, vector<16xf32>,
      %get3A_278 = vector.shape_cast %get3A_277 : vector<16xf32> to vector<16xf32>
      %add3A_279 = arith.addf %add3A_265, %get3A_278 : vector<16xf32>
      %get3A_280 = arith.index_cast %add3A_275 : i32 to index
      %get3A_281 = tpu.vector_load %arg11[%get3A_280] {strides = array<i32>} : memref<512xf32, #tpu.memory_space<vmem>>, vector<16xf32>,
      %get3A_282 = vector.shape_cast %get3A_281 : vector<16xf32> to vector<16xf32>
      %add3A_283 = arith.addf %add3A_279, %get3A_282 : vector<16xf32>
      %get3A_284 = arith.index_cast %add3A_275 : i32 to index
      %get3A_285 = tpu.vector_load %arg10[%get3A_284] {strides = array<i32>} : memref<512xf32, #tpu.memory_space<vmem>>, vector<16xf32>,
      %get3A_286 = vector.shape_cast %get3A_285 : vector<16xf32> to vector<16xf32>
      %add3A_287 = arith.addf %add3A_269, %get3A_286 : vector<16xf32>
      scf.yield %add3A_283, %add3A_287 : vector<16xf32>, vector<16xf32>
    }
    %scan3A_164 = arith.constant 8 : i32
    %dma_wait3A_165 = arith.constant 128 : i32
    %dma_wait3A_166 = tpu.memref_slice %arg9[%dma_wait3A_165] : memref<512xf32, #tpu.memory_space<vmem>> -> memref<128xf32, #tpu.memory_space<vmem>>
    %dma_wait3A_167 = arith.constant 128 : i32
    %dma_wait3A_168 = tpu.memref_slice %arg8[%dma_wait3A_167] : memref<512xi32, #tpu.memory_space<vmem>> -> memref<128xi32, #tpu.memory_space<vmem>>
    %dma_wait3A_169 = arith.constant 0 : i32
    %dma_wait3A_170 = tpu.memref_slice %arg3[%dma_wait3A_169] : memref<100000xf32, #tpu.memory_space<hbm>> -> memref<100000xf32, #tpu.memory_space<hbm>>
    tpu.wait_indirect_dma semaphore(%arg15 : memref<!tpu.dma_semaphore, #tpu.memory_space<semaphore_mem>>) src(%dma_wait3A_170 : memref<100000xf32, #tpu.memory_space<hbm>>) dst(%dma_wait3A_166 : memref<128xf32, #tpu.memory_space<vmem>>)
    %dma_wait3A_171 = arith.constant 128 : i32
    %dma_wait3A_172 = tpu.memref_slice %arg10[%dma_wait3A_171] : memref<512xf32, #tpu.memory_space<vmem>> -> memref<128xf32, #tpu.memory_space<vmem>>
    %dma_wait3A_173 = arith.constant 128 : i32
    %dma_wait3A_174 = tpu.memref_slice %arg8[%dma_wait3A_173] : memref<512xi32, #tpu.memory_space<vmem>> -> memref<128xi32, #tpu.memory_space<vmem>>
    %dma_wait3A_175 = arith.constant 0 : i32
    %dma_wait3A_176 = tpu.memref_slice %arg4[%dma_wait3A_175] : memref<100000xf32, #tpu.memory_space<hbm>> -> memref<100000xf32, #tpu.memory_space<hbm>>
    tpu.wait_indirect_dma semaphore(%arg15 : memref<!tpu.dma_semaphore, #tpu.memory_space<semaphore_mem>>) src(%dma_wait3A_176 : memref<100000xf32, #tpu.memory_space<hbm>>) dst(%dma_wait3A_172 : memref<128xf32, #tpu.memory_space<vmem>>)
    %dma_wait3A_177 = arith.constant 128 : i32
    %dma_wait3A_178 = tpu.memref_slice %arg11[%dma_wait3A_177] : memref<512xf32, #tpu.memory_space<vmem>> -> memref<128xf32, #tpu.memory_space<vmem>>
    %dma_wait3A_179 = arith.constant 128 : i32
    %dma_wait3A_180 = tpu.memref_slice %arg8[%dma_wait3A_179] : memref<512xi32, #tpu.memory_space<vmem>> -> memref<128xi32, #tpu.memory_space<vmem>>
    %dma_wait3A_181 = arith.constant 0 : i32
    %dma_wait3A_182 = tpu.memref_slice %arg5[%dma_wait3A_181] : memref<100000xf32, #tpu.memory_space<hbm>> -> memref<100000xf32, #tpu.memory_space<hbm>>
    tpu.wait_indirect_dma semaphore(%arg15 : memref<!tpu.dma_semaphore, #tpu.memory_space<semaphore_mem>>) src(%dma_wait3A_182 : memref<100000xf32, #tpu.memory_space<hbm>>) dst(%dma_wait3A_178 : memref<128xf32, #tpu.memory_space<vmem>>)
    %scan3A_183 = arith.constant 0 : i32
    %scan3A_184 = arith.constant 8 : i32
    %scan3A_185 = arith.addi %scan3A_183, %scan3A_184 : i32
    %scan3A_186 = arith.constant 2 : i32
    %scan3A_187:2 = scf.for %scan3A_251 = %scan3A_183 to %scan3A_185 step %scan3A_186 iter_args(%scan3A_252 = %scan3A_163#0, %scan3A_253 = %scan3A_163#1) -> (vector<16xf32>, vector<16xf32>)  : i32 {
      %mul3A_254 = arith.constant 16 : i32
      %mul3A_255 = arith.muli %scan3A_251, %mul3A_254 : i32
      %add3A_256 = arith.constant 128 : i32
      %add3A_257 = arith.addi %add3A_256, %mul3A_255 : i32
      %get3A_258 = arith.index_cast %add3A_257 : i32 to index
      %get3A_259 = tpu.vector_load %arg9[%get3A_258] {strides = array<i32>} : memref<512xf32, #tpu.memory_space<vmem>>, vector<16xf32>,
      %get3A_260 = vector.shape_cast %get3A_259 : vector<16xf32> to vector<16xf32>
      %add3A_261 = arith.addf %scan3A_252, %get3A_260 : vector<16xf32>
      %get3A_262 = arith.index_cast %add3A_257 : i32 to index
      %get3A_263 = tpu.vector_load %arg11[%get3A_262] {strides = array<i32>} : memref<512xf32, #tpu.memory_space<vmem>>, vector<16xf32>,
      %get3A_264 = vector.shape_cast %get3A_263 : vector<16xf32> to vector<16xf32>
      %add3A_265 = arith.addf %add3A_261, %get3A_264 : vector<16xf32>
      %get3A_266 = arith.index_cast %add3A_257 : i32 to index
      %get3A_267 = tpu.vector_load %arg10[%get3A_266] {strides = array<i32>} : memref<512xf32, #tpu.memory_space<vmem>>, vector<16xf32>,
      %get3A_268 = vector.shape_cast %get3A_267 : vector<16xf32> to vector<16xf32>
      %add3A_269 = arith.addf %scan3A_253, %get3A_268 : vector<16xf32>
      %scan3A_270 = arith.constant 1 : i32
      %scan3A_271 = arith.addi %scan3A_251, %scan3A_270 : i32
      %mul3A_272 = arith.constant 16 : i32
      %mul3A_273 = arith.muli %scan3A_271, %mul3A_272 : i32
      %add3A_274 = arith.constant 128 : i32
      %add3A_275 = arith.addi %add3A_274, %mul3A_273 : i32
      %get3A_276 = arith.index_cast %add3A_275 : i32 to index
      %get3A_277 = tpu.vector_load %arg9[%get3A_276] {strides = array<i32>} : memref<512xf32, #tpu.memory_space<vmem>>, vector<16xf32>,
      %get3A_278 = vector.shape_cast %get3A_277 : vector<16xf32> to vector<16xf32>
      %add3A_279 = arith.addf %add3A_265, %get3A_278 : vector<16xf32>
      %get3A_280 = arith.index_cast %add3A_275 : i32 to index
      %get3A_281 = tpu.vector_load %arg11[%get3A_280] {strides = array<i32>} : memref<512xf32, #tpu.memory_space<vmem>>, vector<16xf32>,
      %get3A_282 = vector.shape_cast %get3A_281 : vector<16xf32> to vector<16xf32>
      %add3A_283 = arith.addf %add3A_279, %get3A_282 : vector<16xf32>
      %get3A_284 = arith.index_cast %add3A_275 : i32 to index
      %get3A_285 = tpu.vector_load %arg10[%get3A_284] {strides = array<i32>} : memref<512xf32, #tpu.memory_space<vmem>>, vector<16xf32>,
      %get3A_286 = vector.shape_cast %get3A_285 : vector<16xf32> to vector<16xf32>
      %add3A_287 = arith.addf %add3A_269, %get3A_286 : vector<16xf32>
      scf.yield %add3A_283, %add3A_287 : vector<16xf32>, vector<16xf32>
    }
    %scan3A_188 = arith.constant 8 : i32
    %dma_wait3A_189 = arith.constant 256 : i32
    %dma_wait3A_190 = tpu.memref_slice %arg9[%dma_wait3A_189] : memref<512xf32, #tpu.memory_space<vmem>> -> memref<128xf32, #tpu.memory_space<vmem>>
    %dma_wait3A_191 = arith.constant 256 : i32
    %dma_wait3A_192 = tpu.memref_slice %arg8[%dma_wait3A_191] : memref<512xi32, #tpu.memory_space<vmem>> -> memref<128xi32, #tpu.memory_space<vmem>>
    %dma_wait3A_193 = arith.constant 0 : i32
    %dma_wait3A_194 = tpu.memref_slice %arg3[%dma_wait3A_193] : memref<100000xf32, #tpu.memory_space<hbm>> -> memref<100000xf32, #tpu.memory_space<hbm>>
    tpu.wait_indirect_dma semaphore(%arg16 : memref<!tpu.dma_semaphore, #tpu.memory_space<semaphore_mem>>) src(%dma_wait3A_194 : memref<100000xf32, #tpu.memory_space<hbm>>) dst(%dma_wait3A_190 : memref<128xf32, #tpu.memory_space<vmem>>)
    %dma_wait3A_195 = arith.constant 256 : i32
    %dma_wait3A_196 = tpu.memref_slice %arg10[%dma_wait3A_195] : memref<512xf32, #tpu.memory_space<vmem>> -> memref<128xf32, #tpu.memory_space<vmem>>
    %dma_wait3A_197 = arith.constant 256 : i32
    %dma_wait3A_198 = tpu.memref_slice %arg8[%dma_wait3A_197] : memref<512xi32, #tpu.memory_space<vmem>> -> memref<128xi32, #tpu.memory_space<vmem>>
    %dma_wait3A_199 = arith.constant 0 : i32
    %dma_wait3A_200 = tpu.memref_slice %arg4[%dma_wait3A_199] : memref<100000xf32, #tpu.memory_space<hbm>> -> memref<100000xf32, #tpu.memory_space<hbm>>
    tpu.wait_indirect_dma semaphore(%arg16 : memref<!tpu.dma_semaphore, #tpu.memory_space<semaphore_mem>>) src(%dma_wait3A_200 : memref<100000xf32, #tpu.memory_space<hbm>>) dst(%dma_wait3A_196 : memref<128xf32, #tpu.memory_space<vmem>>)
    %dma_wait3A_201 = arith.constant 256 : i32
    %dma_wait3A_202 = tpu.memref_slice %arg11[%dma_wait3A_201] : memref<512xf32, #tpu.memory_space<vmem>> -> memref<128xf32, #tpu.memory_space<vmem>>
    %dma_wait3A_203 = arith.constant 256 : i32
    %dma_wait3A_204 = tpu.memref_slice %arg8[%dma_wait3A_203] : memref<512xi32, #tpu.memory_space<vmem>> -> memref<128xi32, #tpu.memory_space<vmem>>
    %dma_wait3A_205 = arith.constant 0 : i32
    %dma_wait3A_206 = tpu.memref_slice %arg5[%dma_wait3A_205] : memref<100000xf32, #tpu.memory_space<hbm>> -> memref<100000xf32, #tpu.memory_space<hbm>>
    tpu.wait_indirect_dma semaphore(%arg16 : memref<!tpu.dma_semaphore, #tpu.memory_space<semaphore_mem>>) src(%dma_wait3A_206 : memref<100000xf32, #tpu.memory_space<hbm>>) dst(%dma_wait3A_202 : memref<128xf32, #tpu.memory_space<vmem>>)
    %scan3A_207 = arith.constant 0 : i32
    %scan3A_208 = arith.constant 8 : i32
    %scan3A_209 = arith.addi %scan3A_207, %scan3A_208 : i32
    %scan3A_210 = arith.constant 2 : i32
    %scan3A_211:2 = scf.for %scan3A_251 = %scan3A_207 to %scan3A_209 step %scan3A_210 iter_args(%scan3A_252 = %scan3A_187#0, %scan3A_253 = %scan3A_187#1) -> (vector<16xf32>, vector<16xf32>)  : i32 {
      %mul3A_254 = arith.constant 16 : i32
      %mul3A_255 = arith.muli %scan3A_251, %mul3A_254 : i32
      %add3A_256 = arith.constant 256 : i32
      %add3A_257 = arith.addi %add3A_256, %mul3A_255 : i32
      %get3A_258 = arith.index_cast %add3A_257 : i32 to index
      %get3A_259 = tpu.vector_load %arg9[%get3A_258] {strides = array<i32>} : memref<512xf32, #tpu.memory_space<vmem>>, vector<16xf32>,
      %get3A_260 = vector.shape_cast %get3A_259 : vector<16xf32> to vector<16xf32>
      %add3A_261 = arith.addf %scan3A_252, %get3A_260 : vector<16xf32>
      %get3A_262 = arith.index_cast %add3A_257 : i32 to index
      %get3A_263 = tpu.vector_load %arg11[%get3A_262] {strides = array<i32>} : memref<512xf32, #tpu.memory_space<vmem>>, vector<16xf32>,
      %get3A_264 = vector.shape_cast %get3A_263 : vector<16xf32> to vector<16xf32>
      %add3A_265 = arith.addf %add3A_261, %get3A_264 : vector<16xf32>
      %get3A_266 = arith.index_cast %add3A_257 : i32 to index
      %get3A_267 = tpu.vector_load %arg10[%get3A_266] {strides = array<i32>} : memref<512xf32, #tpu.memory_space<vmem>>, vector<16xf32>,
      %get3A_268 = vector.shape_cast %get3A_267 : vector<16xf32> to vector<16xf32>
      %add3A_269 = arith.addf %scan3A_253, %get3A_268 : vector<16xf32>
      %scan3A_270 = arith.constant 1 : i32
      %scan3A_271 = arith.addi %scan3A_251, %scan3A_270 : i32
      %mul3A_272 = arith.constant 16 : i32
      %mul3A_273 = arith.muli %scan3A_271, %mul3A_272 : i32
      %add3A_274 = arith.constant 256 : i32
      %add3A_275 = arith.addi %add3A_274, %mul3A_273 : i32
      %get3A_276 = arith.index_cast %add3A_275 : i32 to index
      %get3A_277 = tpu.vector_load %arg9[%get3A_276] {strides = array<i32>} : memref<512xf32, #tpu.memory_space<vmem>>, vector<16xf32>,
      %get3A_278 = vector.shape_cast %get3A_277 : vector<16xf32> to vector<16xf32>
      %add3A_279 = arith.addf %add3A_265, %get3A_278 : vector<16xf32>
      %get3A_280 = arith.index_cast %add3A_275 : i32 to index
      %get3A_281 = tpu.vector_load %arg11[%get3A_280] {strides = array<i32>} : memref<512xf32, #tpu.memory_space<vmem>>, vector<16xf32>,
      %get3A_282 = vector.shape_cast %get3A_281 : vector<16xf32> to vector<16xf32>
      %add3A_283 = arith.addf %add3A_279, %get3A_282 : vector<16xf32>
      %get3A_284 = arith.index_cast %add3A_275 : i32 to index
      %get3A_285 = tpu.vector_load %arg10[%get3A_284] {strides = array<i32>} : memref<512xf32, #tpu.memory_space<vmem>>, vector<16xf32>,
      %get3A_286 = vector.shape_cast %get3A_285 : vector<16xf32> to vector<16xf32>
      %add3A_287 = arith.addf %add3A_269, %get3A_286 : vector<16xf32>
      scf.yield %add3A_283, %add3A_287 : vector<16xf32>, vector<16xf32>
    }
    %scan3A_212 = arith.constant 8 : i32
    %dma_wait3A_213 = arith.constant 384 : i32
    %dma_wait3A_214 = tpu.memref_slice %arg9[%dma_wait3A_213] : memref<512xf32, #tpu.memory_space<vmem>> -> memref<128xf32, #tpu.memory_space<vmem>>
    %dma_wait3A_215 = arith.constant 384 : i32
    %dma_wait3A_216 = tpu.memref_slice %arg8[%dma_wait3A_215] : memref<512xi32, #tpu.memory_space<vmem>> -> memref<128xi32, #tpu.memory_space<vmem>>
    %dma_wait3A_217 = arith.constant 0 : i32
    %dma_wait3A_218 = tpu.memref_slice %arg3[%dma_wait3A_217] : memref<100000xf32, #tpu.memory_space<hbm>> -> memref<100000xf32, #tpu.memory_space<hbm>>
    tpu.wait_indirect_dma semaphore(%arg17 : memref<!tpu.dma_semaphore, #tpu.memory_space<semaphore_mem>>) src(%dma_wait3A_218 : memref<100000xf32, #tpu.memory_space<hbm>>) dst(%dma_wait3A_214 : memref<128xf32, #tpu.memory_space<vmem>>)
    %dma_wait3A_219 = arith.constant 384 : i32
    %dma_wait3A_220 = tpu.memref_slice %arg10[%dma_wait3A_219] : memref<512xf32, #tpu.memory_space<vmem>> -> memref<128xf32, #tpu.memory_space<vmem>>
    %dma_wait3A_221 = arith.constant 384 : i32
    %dma_wait3A_222 = tpu.memref_slice %arg8[%dma_wait3A_221] : memref<512xi32, #tpu.memory_space<vmem>> -> memref<128xi32, #tpu.memory_space<vmem>>
    %dma_wait3A_223 = arith.constant 0 : i32
    %dma_wait3A_224 = tpu.memref_slice %arg4[%dma_wait3A_223] : memref<100000xf32, #tpu.memory_space<hbm>> -> memref<100000xf32, #tpu.memory_space<hbm>>
    tpu.wait_indirect_dma semaphore(%arg17 : memref<!tpu.dma_semaphore, #tpu.memory_space<semaphore_mem>>) src(%dma_wait3A_224 : memref<100000xf32, #tpu.memory_space<hbm>>) dst(%dma_wait3A_220 : memref<128xf32, #tpu.memory_space<vmem>>)
    %dma_wait3A_225 = arith.constant 384 : i32
    %dma_wait3A_226 = tpu.memref_slice %arg11[%dma_wait3A_225] : memref<512xf32, #tpu.memory_space<vmem>> -> memref<128xf32, #tpu.memory_space<vmem>>
    %dma_wait3A_227 = arith.constant 384 : i32
    %dma_wait3A_228 = tpu.memref_slice %arg8[%dma_wait3A_227] : memref<512xi32, #tpu.memory_space<vmem>> -> memref<128xi32, #tpu.memory_space<vmem>>
    %dma_wait3A_229 = arith.constant 0 : i32
    %dma_wait3A_230 = tpu.memref_slice %arg5[%dma_wait3A_229] : memref<100000xf32, #tpu.memory_space<hbm>> -> memref<100000xf32, #tpu.memory_space<hbm>>
    tpu.wait_indirect_dma semaphore(%arg17 : memref<!tpu.dma_semaphore, #tpu.memory_space<semaphore_mem>>) src(%dma_wait3A_230 : memref<100000xf32, #tpu.memory_space<hbm>>) dst(%dma_wait3A_226 : memref<128xf32, #tpu.memory_space<vmem>>)
    %scan3A_231 = arith.constant 0 : i32
    %scan3A_232 = arith.constant 8 : i32
    %scan3A_233 = arith.addi %scan3A_231, %scan3A_232 : i32
    %scan3A_234 = arith.constant 2 : i32
    %scan3A_235:2 = scf.for %scan3A_251 = %scan3A_231 to %scan3A_233 step %scan3A_234 iter_args(%scan3A_252 = %scan3A_211#0, %scan3A_253 = %scan3A_211#1) -> (vector<16xf32>, vector<16xf32>)  : i32 {
      %mul3A_254 = arith.constant 16 : i32
      %mul3A_255 = arith.muli %scan3A_251, %mul3A_254 : i32
      %add3A_256 = arith.constant 384 : i32
      %add3A_257 = arith.addi %add3A_256, %mul3A_255 : i32
      %get3A_258 = arith.index_cast %add3A_257 : i32 to index
      %get3A_259 = tpu.vector_load %arg9[%get3A_258] {strides = array<i32>} : memref<512xf32, #tpu.memory_space<vmem>>, vector<16xf32>,
      %get3A_260 = vector.shape_cast %get3A_259 : vector<16xf32> to vector<16xf32>
      %add3A_261 = arith.addf %scan3A_252, %get3A_260 : vector<16xf32>
      %get3A_262 = arith.index_cast %add3A_257 : i32 to index
      %get3A_263 = tpu.vector_load %arg11[%get3A_262] {strides = array<i32>} : memref<512xf32, #tpu.memory_space<vmem>>, vector<16xf32>,
      %get3A_264 = vector.shape_cast %get3A_263 : vector<16xf32> to vector<16xf32>
      %add3A_265 = arith.addf %add3A_261, %get3A_264 : vector<16xf32>
      %get3A_266 = arith.index_cast %add3A_257 : i32 to index
      %get3A_267 = tpu.vector_load %arg10[%get3A_266] {strides = array<i32>} : memref<512xf32, #tpu.memory_space<vmem>>, vector<16xf32>,
      %get3A_268 = vector.shape_cast %get3A_267 : vector<16xf32> to vector<16xf32>
      %add3A_269 = arith.addf %scan3A_253, %get3A_268 : vector<16xf32>
      %scan3A_270 = arith.constant 1 : i32
      %scan3A_271 = arith.addi %scan3A_251, %scan3A_270 : i32
      %mul3A_272 = arith.constant 16 : i32
      %mul3A_273 = arith.muli %scan3A_271, %mul3A_272 : i32
      %add3A_274 = arith.constant 384 : i32
      %add3A_275 = arith.addi %add3A_274, %mul3A_273 : i32
      %get3A_276 = arith.index_cast %add3A_275 : i32 to index
      %get3A_277 = tpu.vector_load %arg9[%get3A_276] {strides = array<i32>} : memref<512xf32, #tpu.memory_space<vmem>>, vector<16xf32>,
      %get3A_278 = vector.shape_cast %get3A_277 : vector<16xf32> to vector<16xf32>
      %add3A_279 = arith.addf %add3A_265, %get3A_278 : vector<16xf32>
      %get3A_280 = arith.index_cast %add3A_275 : i32 to index
      %get3A_281 = tpu.vector_load %arg11[%get3A_280] {strides = array<i32>} : memref<512xf32, #tpu.memory_space<vmem>>, vector<16xf32>,
      %get3A_282 = vector.shape_cast %get3A_281 : vector<16xf32> to vector<16xf32>
      %add3A_283 = arith.addf %add3A_279, %get3A_282 : vector<16xf32>
      %get3A_284 = arith.index_cast %add3A_275 : i32 to index
      %get3A_285 = tpu.vector_load %arg10[%get3A_284] {strides = array<i32>} : memref<512xf32, #tpu.memory_space<vmem>>, vector<16xf32>,
      %get3A_286 = vector.shape_cast %get3A_285 : vector<16xf32> to vector<16xf32>
      %add3A_287 = arith.addf %add3A_269, %get3A_286 : vector<16xf32>
      scf.yield %add3A_283, %add3A_287 : vector<16xf32>, vector<16xf32>
    }
    %scan3A_236 = arith.constant 8 : i32
    %dma_wait3A_237 = arith.constant 0 : i32
    %dma_wait3A_238 = tpu.memref_slice %arg12[%dma_wait3A_237] : memref<16xf32, #tpu.memory_space<vmem>> -> memref<1xf32, #tpu.memory_space<vmem>>
    %dma_wait3A_239 = arith.constant 0 : i32
    %dma_wait3A_240 = tpu.memref_slice %arg12[%dma_wait3A_239] : memref<16xf32, #tpu.memory_space<vmem>> -> memref<1xf32, #tpu.memory_space<vmem>>
    tpu.wait_dma2 semaphore(%arg18 : memref<!tpu.dma_semaphore, #tpu.memory_space<semaphore_mem>>) src(%arg6 : memref<1xf32, #tpu.memory_space<hbm>>) dst(%dma_wait3A_240 : memref<1xf32, #tpu.memory_space<vmem>>)
    %get3A = arith.constant 0 : index
    %get3A_241 = tpu.vector_load %arg12[%get3A] {strides = array<i32>} : memref<16xf32, #tpu.memory_space<vmem>>, vector<16xf32>,
    %get3A_242 = vector.shape_cast %get3A_241 : vector<16xf32> to vector<16xf32>
    %slice3A = vector.extract_strided_slice %get3A_242 {offsets = [0], sizes = [1], strides = [1]} : vector<16xf32> to vector<1xf32>
    %squeeze3A = vector.extract %slice3A[0] : f32 from vector<1xf32>
    %mul3A_243 = vector.broadcast %squeeze3A : f32 to vector<16xf32>
    %mul3A_244 = arith.mulf %scan3A_235#0, %mul3A_243 : vector<16xf32>
    %add3A_245 = arith.addf %mul3A_244, %scan3A_235#1 : vector<16xf32>
    %swap3A = arith.constant 0 : index
    %swap3A_246 = tpu.vector_load %arg13[%swap3A] {strides = array<i32>} : memref<16xf32, #tpu.memory_space<vmem>>, vector<16xf32>,
    %swap3A_247 = vector.shape_cast %swap3A_246 : vector<16xf32> to vector<16xf32>
    %swap3A_248 = vector.shape_cast %add3A_245 : vector<16xf32> to vector<16xf32>
    tpu.vector_store %arg13[%swap3A], %swap3A_248 {strides = array<i32>} : memref<16xf32, #tpu.memory_space<vmem>>, vector<16xf32>,
    %mul3A_249 = arith.constant 16 : i32
    %mul3A_250 = arith.muli %add3A, %mul3A_249 : i32
    "tpu.region"() ({
      %run_scoped3A = tpu.sem_alloc : memref<!tpu.dma_semaphore, #tpu.memory_space<semaphore_mem>>
      %dma_start3A_251 = tpu.memref_slice %arg7[%mul3A_250] : memref<512xf32, #tpu.memory_space<hbm>> -> memref<16xf32, #tpu.memory_space<hbm>>
      %dma_start3A_252 = tpu.memref_slice %arg7[%mul3A_250] : memref<512xf32, #tpu.memory_space<hbm>> -> memref<16xf32, #tpu.memory_space<hbm>>
      tpu.enqueue_dma source(%arg13 : memref<16xf32, #tpu.memory_space<vmem>>) target(%dma_start3A_252 : memref<16xf32, #tpu.memory_space<hbm>>) target_semaphore(%run_scoped3A : memref<!tpu.dma_semaphore, #tpu.memory_space<semaphore_mem>>)
      %dma_wait3A_253 = tpu.memref_slice %arg7[%mul3A_250] : memref<512xf32, #tpu.memory_space<hbm>> -> memref<16xf32, #tpu.memory_space<hbm>>
      %dma_wait3A_254 = tpu.memref_slice %arg7[%mul3A_250] : memref<512xf32, #tpu.memory_space<hbm>> -> memref<16xf32, #tpu.memory_space<hbm>>
      tpu.wait_dma2 semaphore(%run_scoped3A : memref<!tpu.dma_semaphore, #tpu.memory_space<semaphore_mem>>) src(%arg13 : memref<16xf32, #tpu.memory_space<vmem>>) dst(%dma_wait3A_254 : memref<16xf32, #tpu.memory_space<hbm>>)
      tpu.yield
    }) : () -> ()
    return
  }
}

</mosaic_0001>

<sc_bundles>
// kernel: kernel.3.cloned.1.call-start
scs
__scs_entry_jumppad:
0x0: {  	(pc) =	sbr.rel $0x88, $3  }
0x1: {  	(tag) =	ssettag $0x0;
	lr =	simm.s32 $0x1  }
0x2: {  	[smem:$0x3F9C] =	sst lr;
	_ =	strace $0xD0000000  }
0x3: {  	_ = 	snop  }
0x4: {  	_ = 	snop  }
0x5: {  	_ = 	snop  }
0x6: {  	_ = 	snop  }
0x7: {  	_ = 	snop  }
__scs_overlays_trampoline_lowered:
0x8: {  	[smem:$0x3FAB] =	sst s0  }
0x9: {  	[smem:$0x3FAC] =	sst s1  }
0xa: {  	[smem:$0x3FAD] =	sst s2  }
0xb: {  	[smem:$0x3FAE] =	sst s3  }
0xc: {  	[smem:$0x3FAF] =	sst s4  }
0xd: {  	[smem:$0x3FB0] =	sst s5  }
0xe: {  	[smem:$0x3FB1] =	sst s6  }
0xf: {  	[smem:$0x3FB2] =	sst s7  }
0x10: {  	[smem:$0x3FB3] =	sst s8  }
0x11: {  	[smem:$0x3FB4] =	sst s9;
	s0 =	simm.s32 @!p0 $0x0  }
0x12: {  	s1 =	sld [smem:$0x3F9A];
	s0 =	simm.s32 @p0 $0x1  }
0x13: {  	[smem:$0x3FB5] =	sst s0;
	s0 =	simm.s32 @!p1 $0x0  }
0x14: {  	s2 =	sld [smem:$0x3F99];
	s0 =	simm.s32 @p1 $0x1  }
0x15: {  	[smem:$0x3FB6] =	sst s0;
	s0 =	simm.s32 @!p2 $0x0  }
0x16: {  	s3 =	sld [smem:$0x3FDB];
	s0 =	simm.s32 @p2 $0x1  }
0x17: {  	s4 =	simm.s32 $0x1BF5;
	[smem:$0x3FB8] =	sst s0  }
0x18: {  	s0 =	sld [smem:$0x3F9B];
	_ =	swait.ge [sflag:s4], $0x0  }
0x19: {  	s7 =	sld [smem:$0x3F9C]  }
0x1a: {  	s8 =	sadd.s32 $0xFFFFE003, lr  }
0x1b: {  	s9 =	sadd.s32 $0xFFFFFEF7, lr;
	s5 =	simm.s32 $0xFFFFFFFF;
	p2 =	slt.u32 s8, $0xFFFFF086  }
0x1c: {  	p1 =	slt.u32 s9, $0xF7A;
	s5 =	simm.s32 @!p2 $0x0  }
0x1d: {  	s5 =	simm.s32 @p1 $0x1;
	p0 =	seq.s32 s7, s2  }
0x1e: {  	s7 =	smul.u32 @!p0 $0xF7A, s2;
	p2 =	seq.s32 @!p0 s5, $0x0  }
0x1f: {  	s9 =	smul.u32 $0xF7A, s1;
	s8 =	simm.s32 @!p0 $0x1BF5;
	p2 =	por !p2, p0  }
0x20: {  	[sflag:s8] =	ssyncset.s32 @!p0 $0xFFFFF086;
	s6 =	sadd.s32 @!p0 s3, s7;
	s7 =	simm.s32 @!p0 $0x108  }
0x21: {  	s3 =	sadd.s32 s3, s9;
	s6 =	sadd.s32 @!p0 $0x88, s6;
	s7 =	simm.s32 @p2 $0x1082  }
0x22: {  	[simem:s7], [sflag:s8] =	dma.local @!p0 [hbm:s6], $0xF7A  }
0x23: {  	s9 =	sor.u32 $0xD0000000, s2;
	s6 =	simm.s32 $0x108;
	_ =	swait.ge @!p0 [sflag:s8], $0x0  }
0x24: {  	s3 =	sadd.s32 $0x88, s3;
	s6 =	simm.s32 @!p1 $0x1082;
	[sflag:s4] =	ssyncset.s32 $0xFFFFF086  }
0x25: {  	[simem:s6], [sflag:s4] =	dma.local [hbm:s3], $0xF7A  }
0x26: {  	[smem:$0x3F9C] =	sst s1;
	(tag) =	ssettag s2;
	_ =	strace s9  }
0x27: {  	s1 =	sld [smem:$0x3FAC]  }
0x28: {  	s2 =	sld [smem:$0x3FAD]  }
0x29: {  	s4 =	sld [smem:$0x3FAF]  }
0x2a: {  	p0 =	seq.s32 s5, $0x0;
	s5 =	sld [smem:$0x3FB0]  }
0x2b: {  	s6 =	sld [smem:$0x3FB1]  }
0x2c: {  	s7 =	sld [smem:$0x3FB2]  }
0x2d: {  	s3 =	simm.s32 $0x108;
	s8 =	sld [smem:$0x3FB3]  }
0x2e: {  	s3 =	simm.s32 @!p0 $0x1082;
	s9 =	sld [smem:$0x3FB4]  }
0x2f: {  	lr =	sadd.s32 s0, s3;
	s0 =	sld [smem:$0x3FAB]  }
0x30: {  	s3 =	sld [smem:$0x3FAE]  }
0x31: {  	[smem:$0x3FB7] =	sst s10  }
0x32: {  	s10 =	sld [smem:$0x3FB5];
	_ =	sdelay $0x3  }
0x33: {  	p0 =	seq.s32 s10, $0x1;
	s10 =	sld [smem:$0x3FB7];
	_ =	sdelay $0x3  }
0x34: {  	[smem:$0x3FB7] =	sst s10  }
0x35: {  	s10 =	sld [smem:$0x3FB6];
	_ =	sdelay $0x3  }
0x36: {  	p1 =	seq.s32 s10, $0x1;
	s10 =	sld [smem:$0x3FB7];
	_ =	sdelay $0x3  }
0x37: {  	[smem:$0x3FB7] =	sst s10  }
0x38: {  	s10 =	sld [smem:$0x3FB8]  }
0x39: {  	_ = 	snop;
	(pc) =	sbr.ind lr, $3  }
0x3a: {  	_ = 	snop  }
0x3b: {  	_ = 	snop  }
0x3c: {  	p2 =	seq.s32 s10, $0x1;
	s10 =	sld [smem:$0x3FB7]  }
0x3d: {  	_ =	shalt  }
0x3e: {  	_ =	shalt  }
0x3f: {  	_ =	shalt  }
0x40: {  	_ =	shalt  }
0x41: {  	_ =	shalt  }
0x42: {  	_ =	shalt  }
0x43: {  	_ =	shalt  }
0x44: {  	_ =	shalt  }
0x45: {  	_ =	shalt  }
0x46: {  	_ =	shalt  }
0x47: {  	_ =	shalt  }
0x48: {  	_ =	shalt  }
0x49: {  	_ =	shalt  }
0x4a: {  	_ =	shalt  }
0x4b: {  	_ =	shalt  }
0x4c: {  	_ =	shalt  }
0x4d: {  	_ =	shalt  }
0x4e: {  	_ =	shalt  }
0x4f: {  	_ =	shalt  }
0x50: {  	_ =	shalt  }
0x51: {  	_ =	shalt  }
0x52: {  	_ =	shalt  }
0x53: {  	_ =	shalt  }
0x54: {  	_ =	shalt  }
0x55: {  	_ =	shalt  }
0x56: {  	_ =	shalt  }
0x57: {  	_ =	shalt  }
0x58: {  	_ =	shalt  }
0x59: {  	_ =	shalt  }
0x5a: {  	_ =	shalt  }
0x5b: {  	_ =	shalt  }
0x5c: {  	_ =	shalt  }
0x5d: {  	_ =	shalt  }
0x5e: {  	_ =	shalt  }
0x5f: {  	_ =	shalt  }
0x60: {  	_ =	shalt  }
0x61: {  	_ =	shalt  }
0x62: {  	_ =	shalt  }
0x63: {  	_ =	shalt  }
0x64: {  	_ =	shalt  }
0x65: {  	_ =	shalt  }
0x66: {  	_ =	shalt  }
0x67: {  	_ =	shalt  }
0x68: {  	_ =	shalt  }
0x69: {  	_ =	shalt  }
0x6a: {  	_ =	shalt  }
0x6b: {  	_ =	shalt  }
0x6c: {  	_ =	shalt  }
0x6d: {  	_ =	shalt  }
0x6e: {  	_ =	shalt  }
0x6f: {  	_ =	shalt  }
0x70: {  	_ =	shalt  }
0x71: {  	_ =	shalt  }
0x72: {  	_ =	shalt  }
0x73: {  	_ =	shalt  }
0x74: {  	_ =	shalt  }
0x75: {  	_ =	shalt  }
0x76: {  	_ =	shalt  }
0x77: {  	_ =	shalt  }
0x78: {  	_ =	shalt  }
0x79: {  	_ =	shalt  }
0x7a: {  	_ =	shalt  }
0x7b: {  	_ =	shalt  }
0x7c: {  	_ =	shalt  }
0x7d: {  	_ =	shalt  }
0x7e: {  	_ =	shalt  }
0x7f: {  	_ =	shalt  }
0x80: {  	_ =	shalt  }
0x81: {  	_ =	shalt  }
0x82: {  	_ =	shalt  }
0x83: {  	_ =	shalt  }
0x84: {  	_ =	shalt  }
0x85: {  	_ =	shalt  }
0x86: {  	_ =	shalt  }
0x87: {  	_ =	shalt  }
.Lfunc_end0:
.L_simem_size_0:
called_computation_lowered:
.L_overlay_start_0:
0x88: {  	s2 =	sld [smem:$0x3FD9]  }
0x89: {  	s3 =	sld [smem:$0x3FFE];
	_ =	sdelay $0x1  }
0x8a: {  	s1 =	srdreg.scid  }
0x8b: {  	s0 =	sand.u32 $0x1, s1  }
0x8c: {  	s17 =	sshll.u32 s0, $0xA;
	s2 =	sadd.s32 s3, s2  }
0x8d: {  	s2 =	sadd.s32 s2, s17  }
0x8e: {  	[smem:$0x3FC3] =	sst s2  }
0x8f: {  	_ = 	snop  }
0x90: {  	s2 =	sld [smem:$0x3FC9]  }
0x91: {  	s18 =	sld [smem:$0x3FC8]  }
0x92: {  	s4 =	sld [smem:$0x3FC7]  }
0x93: {  	s5 =	sld [smem:$0x3FC6]  }
0x94: {  	s6 =	sld [smem:$0x3FC5];
	(tm) =	ssettm $0x1  }
0x95: {  	s7 =	sld [smem:$0x3FFB];
	_ =	sdelay $0x3  }
0x96: {  	_ =	strace s7  }
0x97: {  	s7 =	sld [smem:$0x3FFC];
	_ =	sdelay $0x3  }
0x98: {  	_ =	strace s7  }
0x99: {  	s7 =	sld [smem:$0x3FFD];
	_ =	sdelay $0x3  }
0x9a: {  	_ =	strace s7  }
0x9b: {  	_ =	strace $0x8FFFFFFF  }
0x9c: {  	s19 =	sld [smem:$0x3FDB];
	_ =	sdelay $0x1  }
0x9d: {  	s8 =	simm.s32 $_scs_section_size  }
0x9e: {  	s9 =	simm.s32 $_size__tile_overlayer_lowered;
	s10 =	simm.s32 $_tile_overlayer_lowered  }
0x9f: {  	s22 =	simm.s32 $0x1BFF;
	s21 =	sshll.u32 s10, $0x1;
	s7 =	sadd.s32 s8, s19  }
0xa0: {  	s11 =	simm.s32 $0x0;
	s20 =	sshll.u32 s9, $0x1;
	s9 =	sadd.s32 s21, s7  }
0xa1: {  	[timem:s11], [sflag:s22] =	dma.local [hbm:s9], s20  }
0xa2: {  	_ =	swait.ge [sflag:s22], s20  }
0xa3: {  	s8 =	ssub.s32 $0x0, s20;
	[sflag:s22] =	ssyncset.done $0x0  }
0xa4: {  	[sflag:s22] =	ssyncadd.s32 s8;
	_ =	sdelay $0x1  }
0xa5: {  	s23 =	simm.s32 $0x1B8B  }
0xa6: {  	_ =	swait.ge [sflag:s23], $0x1  }
0xa7: {  	[sflag:s23] =	ssyncset.done $0x0  }
0xa8: {  	s25 =	simm.s32 $0x1B8E;
	s24 =	sld [smem:$0x3FFE];
	[sflag:s23] =	ssyncadd.s32 $0xFFFFFFFF  }
0xa9: {  	s26 =	simm.s32 $execute0_lowered;
	[smem:$0x3FD2] =	sst s25  }
0xaa: {  	s9 =	sshll.u32 s26, $0x1;
	_ =	strace $0x80000046;
	[dreg:$0x1] =	wrdreg $0xFFFFFFFF  }
0xab: {  	s28 =	simm.s32 $_size_execute0_lowered;
	s7 =	sadd.s32 s7, s9;
	[dreg:$0x0] =	wrdreg $0x0  }
0xac: {  	s9 =	sshll.u32 s28, $0x1;
	[dreg:$0x2] =	wrdreg s7  }
0xad: {  	[dreg:$0x3] =	wrdreg s9  }
0xae: {  	[dreg:$0x4] =	wrdreg $0xC0  }
0xaf: {  	_ =	task [dreg:s11], $0x5FFFF  }
0xb0: {  	[dreg:$0x1] =	wrdreg $0xFFFFFFFF  }
0xb1: {  	[dreg:$0x0] =	wrdreg $0x60  }
0xb2: {  	[dreg:$0x2] =	wrdreg s2  }
0xb3: {  	[dreg:$0x3] =	wrdreg s4  }
0xb4: {  	[dreg:$0x4] =	wrdreg s5  }
0xb5: {  	[dreg:$0x5] =	wrdreg s6  }
0xb6: {  	[dreg:$0x6] =	wrdreg s18  }
0xb7: {  	[dreg:$0x7] =	wrdreg s24  }
0xb8: {  	[dreg:$0x8] =	wrdreg $0x9  }
0xb9: {  	_ =	task.clear_ibuf [dreg:s11], $0x9FFFF;
	_ =	strace $0x90000046  }
0xba: {  	s29 =	simm.s32 $0x9;
	_ =	strace $0x80000048  }
0xbb: {  	_ =	swait.ge [sflag:s29], $0x1  }
0xbc: {  	[sflag:s29] =	ssyncadd.s32 $0xFFFFFFFF  }
0xbd: {  	_ =	strace $0x90000048  }
0xbe: {  	_ =	sfence  }
0xbf: {  	s30 =	sld [smem:$0x0];
	_ =	sdelay $0x2  }
0xc0: {  	s31 =	sshll.u32 s1, $0xD;
	s1 =	sshrl.u32 s1, $0x2  }
0xc1: {  	s3 =	sand.u32 $0x4000, s31;
	s1 =	sadd.s32 s1, s30  }
0xc2: {  	s0 =	sor.u32 s3, s0;
	s1 =	sshll.u32 s1, $0x11  }
0xc3: {  	s0 =	sor.u32 s1, s0  }
0xc4: {  	s0 =	sadd.s32 $0x8F2B, s0  }
0xc5: {  	[sflag:s0] =	ssyncadd.remote.s32 $0x1  }
0xc6: {  	_ =	sfence.sel $0xFFFF  }
0xc7: {  	[dreg:$0x0] =	wrdreg $0xFFFFFFFF;
	(pc) =	sbr.abs _section_cstart, $3  }
0xc8: {  	[dreg:$0x1] =	wrdreg $0xFFFFFFFF  }
0xc9: {  	_ =	task.clear_ibuf [dreg:s11], $0x2FFFF;
	_ =	strace $0x9FFFFFFF  }
0xca: {  	(tm) =	ssettm $0x7FFFFFFF  }
0xcb: {  	_ =	shalt  }
tec
execute0_lowered:
.L_overlay_start_1:
0x0: {  	(tag) =	ssettag $0x1  }
0x1: {  	s4 =	rddreg [dreg:$0x0]  }
0x2: {  	s0 =	rddreg [dreg:$0x1]  }
0x3: {  	s2 =	rddreg [dreg:$0x2]  }
0x4: {  	s3 =	rddreg [dreg:$0x3]  }
0x5: {  	s5 =	rddreg [dreg:$0x4];
	s6 =	srdreg.scid  }
0x6: {  	s1 =	stileid.u32;
	s8 =	rddreg [dreg:$0x5];
	s11 =	simm.s32 $0x100  }
0x7: {  	s12 =	simm.s32 $0x180;
	s13 =	simm.s32 $0x1;
	s14 =	simm.s32 $0x200  }
0x8: {  	s15 =	simm.s32 $0x400;
	s16 =	simm.s32 $0x600;
	s17 =	simm.s32 $0x2  }
0x9: {  	s18 =	simm.s32 $0x280;
	s19 =	simm.s32 $0x480;
	s20 =	simm.s32 $0x680  }
0xa: {  	s28 =	simm.s32 $0x580;
	s29 =	simm.s32 $0x780;
	s30 =	simm.s32 $0x5  }
0xb: {  	s31 =	simm.s32 $0x880;
	s7 =	sand.u32 $0x1, s6;
	s21 =	sshll.u32 s1, $0x1  }
0xc: {  	[dreg:$0x7] =	wrdreg s5;
	s5 =	simm.s32 $0x0;
	s9 =	sor.u32 s7, s21  }
0xd: {  	[smem:$0x7FF] =	sst s5;
	s23 =	ssub.s32 $0x2, s7;
	s21 =	simm.s32 $0x3  }
0xe: {  	s22 =	sshll.u32 s9, $0x6;
	_ =	strace $0x80000047;
	s10 =	sshrl.u32 s23, $0x1  }
0xf: {  	s9 =	sshll.u32 s9, $0x1;
	s6 =	sadd.s32 s4, s22;
	s4 =	ssub.s32 s23, s10  }
0x10: {  	s7 =	sadd.s32 s8, s9;
	s10 =	simm.s32 $0x80;
	s24 =	sadd.s32 $0x10, s6  }
0x11: {  	s22 =	simm.s32 $0x300;
	s25 =	sadd.s32 $0x20, s6;
	[dreg:$0x8] =	wrdreg s24  }
0x12: {  	s23 =	simm.s32 $0x500;
	s26 =	sadd.s32 $0x30, s6;
	[dreg:$0x9] =	wrdreg s25  }
0x13: {  	s8 =	smax.u32 s4, $0x1;
	s4 =	simm.s32 $0x6;
	[dreg:$0xa] =	wrdreg s26  }
0x14: {  	s24 =	simm.s32 $0x700;
	s25 =	simm.s32 $0x4;
	s26 =	simm.s32 $0x380  }
.LBB2_1:
0x15: {  	s1 =	rddreg [dreg:$0x7];
	s9 =	simm.s32 $0x800  }
0x16: {  	[tilespmem:s9], [sflag:$0x5] =	stream.linear.gather [hbm4b:s1+s5], $0x1, $0x38;
	[tilespmem:$0x900] =	vst v63  }
0x17: {  	_ = 	snop  }
0x18: {  	[tilespmem:s5], [sflag:$0x1] =	stream.linear.gather [hbm4b:s6+s5], $0x80, $0x38;
	[tilespmem:$0x900] =	vst v63  }
0x19: {  	s1 =	rddreg [dreg:$0x8]  }
0x1a: {  	[tilespmem:s10], [sflag:$0x2] =	stream.linear.gather [hbm4b:s1+s5], $0x80, $0x38;
	[tilespmem:$0x900] =	vst v63  }
0x1b: {  	s9 =	rddreg [dreg:$0x9]  }
0x1c: {  	[tilespmem:s11], [sflag:$0x3] =	stream.linear.gather [hbm4b:s9+s5], $0x80, $0x38;
	[tilespmem:$0x900] =	vst v63  }
0x1d: {  	s1 =	rddreg [dreg:$0xa]  }
0x1e: {  	[tilespmem:s12], [sflag:$0x4] =	stream.linear.gather [hbm4b:s1+s5], $0x80, $0x38;
	[tilespmem:$0x900] =	vst v63  }
0x1f: {  	_ =	swait.ge [sflag:s13], $0x80  }
0x20: {  	[sflag:s13] =	ssyncset.done $0x0  }
0x21: {  	[sflag:s13] =	ssyncadd.s32 $0xFFFFFF80  }
0x22: {  	[tilespmem:s14], [sflag:$0x1] =	stream.indirect.gather [hbm4b:s0+s10], $0x1, s5, s10, $0xb8;
	[tilespmem:$0x900] =	vst v63  }
0x23: {  	_ = 	snop  }
0x24: {  	[tilespmem:s15], [sflag:$0x1] =	stream.indirect.gather [hbm4b:s2+s10], $0x1, s5, s10, $0xb8;
	[tilespmem:$0x900] =	vst v63  }
0x25: {  	_ = 	snop  }
0x26: {  	[tilespmem:s16], [sflag:$0x1] =	stream.indirect.gather [hbm4b:s3+s10], $0x1, s5, s10, $0xb8;
	[tilespmem:$0x900] =	vst v63  }
0x27: {  	_ =	swait.ge [sflag:s17], $0x80  }
0x28: {  	[sflag:s17] =	ssyncset.done $0x0  }
0x29: {  	[sflag:s17] =	ssyncadd.s32 $0xFFFFFF80  }
0x2a: {  	[tilespmem:s18], [sflag:$0x2] =	stream.indirect.gather [hbm4b:s0+s10], $0x1, s10, s10, $0xb8;
	[tilespmem:$0x900] =	vst v63  }
0x2b: {  	_ = 	snop  }
0x2c: {  	[tilespmem:s19], [sflag:$0x2] =	stream.indirect.gather [hbm4b:s2+s10], $0x1, s10, s10, $0xb8;
	[tilespmem:$0x900] =	vst v63  }
0x2d: {  	_ = 	snop  }
0x2e: {  	[tilespmem:s20], [sflag:$0x2] =	stream.indirect.gather [hbm4b:s3+s10], $0x1, s10, s10, $0xb8;
	[tilespmem:$0x900] =	vst v63  }
0x2f: {  	_ =	swait.ge [sflag:s21], $0x80  }
0x30: {  	[sflag:s21] =	ssyncset.done $0x0  }
0x31: {  	[sflag:s21] =	ssyncadd.s32 $0xFFFFFF80  }
0x32: {  	[tilespmem:s22], [sflag:$0x3] =	stream.indirect.gather [hbm4b:s0+s10], $0x1, s11, s10, $0xb8;
	[tilespmem:$0x900] =	vst v63  }
0x33: {  	_ = 	snop  }
0x34: {  	[tilespmem:s23], [sflag:$0x3] =	stream.indirect.gather [hbm4b:s2+s10], $0x1, s11, s10, $0xb8;
	[tilespmem:$0x900] =	vst v63  }
0x35: {  	_ = 	snop  }
0x36: {  	[tilespmem:s24], [sflag:$0x3] =	stream.indirect.gather [hbm4b:s3+s10], $0x1, s11, s10, $0xb8;
	[tilespmem:$0x900] =	vst v63  }
0x37: {  	_ =	swait.ge [sflag:s25], $0x80  }
0x38: {  	[sflag:s25] =	ssyncset.done $0x0  }
0x39: {  	[sflag:s25] =	ssyncadd.s32 $0xFFFFFF80  }
0x3a: {  	[tilespmem:s26], [sflag:$0x4] =	stream.indirect.gather [hbm4b:s0+s10], $0x1, s12, s10, $0xb8;
	[tilespmem:$0x900] =	vst v63  }
0x3b: {  	_ = 	snop  }
0x3c: {  	[tilespmem:s28], [sflag:$0x4] =	stream.indirect.gather [hbm4b:s2+s10], $0x1, s12, s10, $0xb8;
	[tilespmem:$0x900] =	vst v63  }
0x3d: {  	_ = 	snop  }
0x3e: {  	[tilespmem:s29], [sflag:$0x4] =	stream.indirect.gather [hbm4b:s3+s10], $0x1, s12, s10, $0xb8;
	[tilespmem:$0x900] =	vst v63  }
0x3f: {  	_ =	swait.ge [sflag:s13], $0x80  }
0x40: {  	[sflag:s13] =	ssyncset.done $0x0  }
0x41: {  	[sflag:s13] =	ssyncadd.s32 $0xFFFFFF80  }
0x42: {  	_ =	swait.ge [sflag:s13], $0x80  }
0x43: {  	[sflag:s13] =	ssyncset.done $0x0  }
0x44: {  	[sflag:s13] =	ssyncadd.s32 $0xFFFFFF80  }
0x45: {  	_ =	swait.ge [sflag:s13], $0x80  }
0x46: {  	[sflag:s13] =	ssyncset.done $0x0  }
0x47: {  	[sflag:s13] =	ssyncadd.s32 $0xFFFFFF80  }
0x48: {  	v0 =	vld [tilespmem:$0x200]  }
0x49: {  	v1 =	vld [tilespmem:$0x600]  }
0x4a: {  	v2 =	vld [tilespmem:$0x400]  }
0x4b: {  	v3 =	vld [tilespmem:$0x210]  }
0x4c: {  	v4 =	vld [tilespmem:$0x610]  }
0x4d: {  	v5 =	vld [tilespmem:$0x410];
	v0 =	vadd.f32 $0.0e+00, v0  }
0x4e: {  	v6 =	vld [tilespmem:$0x220]  }
0x4f: {  	v7 =	vld [tilespmem:$0x620];
	v0 =	vadd.f32 v1, v0  }
0x50: {  	v8 =	vld [tilespmem:$0x420]  }
0x51: {  	v9 =	vld [tilespmem:$0x230];
	v0 =	vadd.f32 v3, v0  }
0x52: {  	v30 =	vld [tilespmem:$0x630]  }
0x53: {  	v10 =	vld [tilespmem:$0x430];
	v0 =	vadd.f32 v4, v0  }
0x54: {  	v31 =	vld [tilespmem:$0x240]  }
0x55: {  	v11 =	vld [tilespmem:$0x640];
	v0 =	vadd.f32 v6, v0  }
0x56: {  	v32 =	vld [tilespmem:$0x440]  }
0x57: {  	v12 =	vld [tilespmem:$0x250];
	v0 =	vadd.f32 v7, v0  }
0x58: {  	v33 =	vld [tilespmem:$0x650]  }
0x59: {  	v13 =	vld [tilespmem:$0x450];
	v0 =	vadd.f32 v9, v0  }
0x5a: {  	v34 =	vld [tilespmem:$0x260]  }
0x5b: {  	v14 =	vld [tilespmem:$0x660];
	v0 =	vadd.f32 v30, v0  }
0x5c: {  	v15 =	vld [tilespmem:$0x270]  }
0x5d: {  	v35 =	vld [tilespmem:$0x670];
	v0 =	vadd.f32 v31, v0  }
0x5e: {  	v16 =	vld [tilespmem:$0x470]  }
0x5f: {  	v9 =	vld [tilespmem:$0x460];
	_ =	swait.ge [sflag:s17], $0x80;
	v0 =	vadd.f32 v11, v0  }
0x60: {  	[sflag:s17] =	ssyncset.done $0x0  }
0x61: {  	[sflag:s17] =	ssyncadd.s32 $0xFFFFFF80;
	v0 =	vadd.f32 v12, v0  }
0x62: {  	_ =	swait.ge [sflag:s17], $0x80  }
0x63: {  	[sflag:s17] =	ssyncset.done $0x0;
	v0 =	vadd.f32 v33, v0  }
0x64: {  	[sflag:s17] =	ssyncadd.s32 $0xFFFFFF80  }
0x65: {  	_ =	swait.ge [sflag:s17], $0x80;
	v0 =	vadd.f32 v34, v0  }
0x66: {  	[sflag:s17] =	ssyncset.done $0x0  }
0x67: {  	[sflag:s17] =	ssyncadd.s32 $0xFFFFFF80;
	v0 =	vadd.f32 v14, v0  }
0x68: {  	v36 =	vld [tilespmem:$0x280]  }
0x69: {  	v37 =	vld [tilespmem:$0x680];
	v0 =	vadd.f32 v15, v0  }
0x6a: {  	v7 =	vld [tilespmem:$0x480]  }
0x6b: {  	v38 =	vld [tilespmem:$0x290];
	v0 =	vadd.f32 v35, v0  }
0x6c: {  	v39 =	vld [tilespmem:$0x690]  }
0x6d: {  	v40 =	vld [tilespmem:$0x490];
	v0 =	vadd.f32 v36, v0  }
0x6e: {  	v41 =	vld [tilespmem:$0x2A0]  }
0x6f: {  	v42 =	vld [tilespmem:$0x6A0];
	v0 =	vadd.f32 v37, v0  }
0x70: {  	v43 =	vld [tilespmem:$0x4A0]  }
0x71: {  	v44 =	vld [tilespmem:$0x2B0];
	v0 =	vadd.f32 v38, v0  }
0x72: {  	v17 =	vld [tilespmem:$0x6B0]  }
0x73: {  	v45 =	vld [tilespmem:$0x4B0];
	v0 =	vadd.f32 v39, v0  }
0x74: {  	v18 =	vld [tilespmem:$0x2C0]  }
0x75: {  	v46 =	vld [tilespmem:$0x6C0];
	v0 =	vadd.f32 v41, v0  }
0x76: {  	v19 =	vld [tilespmem:$0x4C0]  }
0x77: {  	v47 =	vld [tilespmem:$0x2D0];
	v0 =	vadd.f32 v42, v0  }
0x78: {  	v20 =	vld [tilespmem:$0x6D0]  }
0x79: {  	v48 =	vld [tilespmem:$0x4D0];
	v0 =	vadd.f32 v44, v0  }
0x7a: {  	v21 =	vld [tilespmem:$0x2E0]  }
0x7b: {  	v49 =	vld [tilespmem:$0x6E0];
	v0 =	vadd.f32 v17, v0  }
0x7c: {  	v22 =	vld [tilespmem:$0x4E0]  }
0x7d: {  	v50 =	vld [tilespmem:$0x2F0];
	v0 =	vadd.f32 v18, v0  }
0x7e: {  	v23 =	vld [tilespmem:$0x6F0]  }
0x7f: {  	v51 =	vld [tilespmem:$0x4F0];
	_ =	swait.ge [sflag:s21], $0x80;
	v0 =	vadd.f32 v46, v0  }
0x80: {  	[sflag:s21] =	ssyncset.done $0x0  }
0x81: {  	[sflag:s21] =	ssyncadd.s32 $0xFFFFFF80;
	v0 =	vadd.f32 v47, v0  }
0x82: {  	_ =	swait.ge [sflag:s21], $0x80  }
0x83: {  	[sflag:s21] =	ssyncset.done $0x0;
	v0 =	vadd.f32 v20, v0  }
0x84: {  	[sflag:s21] =	ssyncadd.s32 $0xFFFFFF80  }
0x85: {  	_ =	swait.ge [sflag:s21], $0x80;
	v0 =	vadd.f32 v21, v0  }
0x86: {  	[sflag:s21] =	ssyncset.done $0x0  }
0x87: {  	[sflag:s21] =	ssyncadd.s32 $0xFFFFFF80;
	v0 =	vadd.f32 v49, v0  }
0x88: {  	v52 =	vld [tilespmem:$0x300]  }
0x89: {  	v53 =	vld [tilespmem:$0x700];
	v0 =	vadd.f32 v50, v0  }
0x8a: {  	v54 =	vld [tilespmem:$0x500]  }
0x8b: {  	v55 =	vld [tilespmem:$0x310];
	v0 =	vadd.f32 v23, v0  }
0x8c: {  	v56 =	vld [tilespmem:$0x710]  }
0x8d: {  	v57 =	vld [tilespmem:$0x510];
	v0 =	vadd.f32 v52, v0  }
0x8e: {  	v58 =	vld [tilespmem:$0x320]  }
0x8f: {  	v2 =	vadd.f32 $0.0e+00, v2;
	v59 =	vld [tilespmem:$0x720];
	v0 =	vadd.f32 v53, v0  }
0x90: {  	v60 =	vld [tilespmem:$0x520]  }
0x91: {  	v2 =	vadd.f32 v5, v2;
	v24 =	vld [tilespmem:$0x330];
	v0 =	vadd.f32 v55, v0  }
0x92: {  	v61 =	vld [tilespmem:$0x730]  }
0x93: {  	v2 =	vadd.f32 v8, v2;
	v62 =	vld [tilespmem:$0x530];
	v0 =	vadd.f32 v56, v0  }
0x94: {  	v63 =	vld [tilespmem:$0x340]  }
0x95: {  	v2 =	vadd.f32 v10, v2;
	v28 =	vld [tilespmem:$0x740];
	v0 =	vadd.f32 v58, v0  }
0x96: {  	v29 =	vld [tilespmem:$0x540]  }
0x97: {  	v2 =	vadd.f32 v32, v2;
	v30 =	vld [tilespmem:$0x350];
	v0 =	vadd.f32 v59, v0  }
0x98: {  	v31 =	vld [tilespmem:$0x750]  }
0x99: {  	v2 =	vadd.f32 v13, v2;
	v32 =	vld [tilespmem:$0x550];
	v0 =	vadd.f32 v24, v0  }
0x9a: {  	v33 =	vld [tilespmem:$0x360]  }
0x9b: {  	v2 =	vadd.f32 v9, v2;
	v34 =	vld [tilespmem:$0x760];
	v0 =	vadd.f32 v61, v0  }
0x9c: {  	v35 =	vld [tilespmem:$0x560]  }
0x9d: {  	v2 =	vadd.f32 v16, v2;
	v36 =	vld [tilespmem:$0x370];
	v0 =	vadd.f32 v63, v0  }
0x9e: {  	v37 =	vld [tilespmem:$0x770]  }
0x9f: {  	v2 =	vadd.f32 v7, v2;
	v38 =	vld [tilespmem:$0x570];
	_ =	swait.ge [sflag:s25], $0x80;
	v0 =	vadd.f32 v28, v0  }
0xa0: {  	[sflag:s25] =	ssyncset.done $0x0  }
0xa1: {  	v1 =	vadd.f32 v40, v2;
	[sflag:s25] =	ssyncadd.s32 $0xFFFFFF80;
	v0 =	vadd.f32 v30, v0  }
0xa2: {  	_ =	swait.ge [sflag:s25], $0x80  }
0xa3: {  	v1 =	vadd.f32 v43, v1;
	[sflag:s25] =	ssyncset.done $0x0;
	v0 =	vadd.f32 v31, v0  }
0xa4: {  	[sflag:s25] =	ssyncadd.s32 $0xFFFFFF80  }
0xa5: {  	v1 =	vadd.f32 v45, v1;
	_ =	swait.ge [sflag:s25], $0x80;
	v0 =	vadd.f32 v33, v0  }
0xa6: {  	[sflag:s25] =	ssyncset.done $0x0  }
0xa7: {  	v1 =	vadd.f32 v19, v1;
	[sflag:s25] =	ssyncadd.s32 $0xFFFFFF80;
	v0 =	vadd.f32 v34, v0  }
0xa8: {  	v39 =	vld [tilespmem:$0x380]  }
0xa9: {  	v1 =	vadd.f32 v48, v1;
	v0 =	vadd.f32 v36, v0  }
0xaa: {  	v40 =	vld [tilespmem:$0x780]  }
0xab: {  	v1 =	vadd.f32 v22, v1;
	v0 =	vadd.f32 v37, v0  }
0xac: {  	v41 =	vld [tilespmem:$0x390]  }
0xad: {  	v1 =	vadd.f32 v51, v1;
	v0 =	vadd.f32 v39, v0  }
0xae: {  	v42 =	vld [tilespmem:$0x790]  }
0xaf: {  	v1 =	vadd.f32 v54, v1;
	v0 =	vadd.f32 v40, v0  }
0xb0: {  	v43 =	vld [tilespmem:$0x3A0]  }
0xb1: {  	v1 =	vadd.f32 v57, v1;
	v0 =	vadd.f32 v41, v0  }
0xb2: {  	v44 =	vld [tilespmem:$0x7A0]  }
0xb3: {  	v1 =	vadd.f32 v60, v1;
	v0 =	vadd.f32 v42, v0  }
0xb4: {  	v46 =	vld [tilespmem:$0x3B0]  }
0xb5: {  	v45 =	vld [tilespmem:$0x580];
	v1 =	vadd.f32 v62, v1;
	v0 =	vadd.f32 v43, v0  }
0xb6: {  	v48 =	vld [tilespmem:$0x7B0]  }
0xb7: {  	v51 =	vld [tilespmem:$0x5B0];
	v1 =	vadd.f32 v29, v1;
	v0 =	vadd.f32 v44, v0  }
0xb8: {  	v50 =	vld [tilespmem:$0x3C0]  }
0xb9: {  	v54 =	vld [tilespmem:$0x3D0];
	v1 =	vadd.f32 v32, v1;
	v0 =	vadd.f32 v46, v0  }
0xba: {  	v52 =	vld [tilespmem:$0x7C0]  }
0xbb: {  	v57 =	vld [tilespmem:$0x3E0];
	v1 =	vadd.f32 v35, v1;
	v0 =	vadd.f32 v48, v0  }
0xbc: {  	v47 =	vld [tilespmem:$0x590]  }
0xbd: {  	v1 =	vadd.f32 v38, v1;
	v49 =	vld [tilespmem:$0x5A0];
	v0 =	vadd.f32 v50, v0  }
0xbe: {  	v55 =	vld [tilespmem:$0x7D0]  }
0xbf: {  	v60 =	vld [tilespmem:$0x3F0];
	v1 =	vadd.f32 v45, v1;
	v0 =	vadd.f32 v52, v0  }
0xc0: {  	v62 =	vld [tilespmem:$0x5F0]  }
0xc1: {  	v1 =	vadd.f32 v47, v1;
	v53 =	vld [tilespmem:$0x5C0];
	v0 =	vadd.f32 v54, v0  }
0xc2: {  	v58 =	vld [tilespmem:$0x7E0]  }
0xc3: {  	v1 =	vadd.f32 v49, v1;
	v56 =	vld [tilespmem:$0x5D0];
	v0 =	vadd.f32 v55, v0  }
0xc4: {  	v59 =	vld [tilespmem:$0x5E0]  }
0xc5: {  	v1 =	vadd.f32 v51, v1;
	v61 =	vld [tilespmem:$0x7F0];
	_ =	swait.ge [sflag:s30], $0x1;
	v0 =	vadd.f32 v57, v0  }
0xc6: {  	[sflag:s30] =	ssyncset.done $0x0  }
0xc7: {  	v1 =	vadd.f32 v53, v1;
	[sflag:s30] =	ssyncadd.s32 $0xFFFFFFFF;
	v0 =	vadd.f32 v58, v0  }
0xc8: {  	v63 =	vld.msk [tilespmem:$0x800 ss:$0x0], $0xffff  }
0xc9: {  	v1 =	vadd.f32 v56, v1;
	v0 =	vadd.f32 v60, v0;
	_ =	sdelay $0x1  }
0xca: {  	v1 =	vadd.f32 v59, v1;
	v0 =	vadd.f32 v61, v0;
	_ =	sdelay $0x1  }
0xcb: {  	v1 =	vadd.f32 v62, v1;
	v0 =	vmul.f32 v63, v0;
	_ =	sdelay $0x1  }
0xcc: {  	v0 =	vadd.f32 v0, v1  }
0xcd: {  	p0 =	sne.s32 s8, $0x1  }
.Ltmp0:
0xce: {  	[tilespmem:$0x880] =	vst v0;
	(pc) =	sbr.rel @p0 .LBB2_1-.Ltmp0, $4  }
0xcf: {  	[hbm4b:s7+s5] =	stream.linear.scatter [tilespmem:s31], [sflag:$0x6], $0x10, $0x38;
	[tilespmem:$0x900] =	vst v63  }
0xd0: {  	_ =	swait.ge [sflag:s4], $0x10  }
0xd1: {  	[sflag:s4] =	ssyncset.done $0x0  }
0xd2: {  	s8 =	sadd.s32 $0xFFFFFFFF, s8;
	[sflag:s4] =	ssyncadd.s32 $0xFFFFFFF0  }
0xd3: {  	_ =	sfence.sel $0x180000  }
0xd4: {  	[bflag:$0x0] =	sbarrier.arrive $0xFFFF  }
0xd5: {  	_ =	strace $0x90000047  }
0xd6: {  	s0 =	stileid.u32;
	[bflag:$0x2] =	sbarrier.arrive $0xFFFF  }
0xd7: {  	p0 =	sne.s32 s0, $0x0;
	s0 =	rddreg [dreg:$0x6]  }
0xd8: {  	s0 =	sadd.s32 @!p0 $0x100000, s0  }
0xd9: {  	[sflag:s0] =	ssyncadd.tile.s32 @!p0 $0x1;
	_ =	shalt  }
.Lfunc_end2:
_tile_overlayer_lowered:
.L_overlay_start_2:
0xda: {  	(tag) =	ssettag $0x2  }
0xdb: {  	s0 =	rddreg [dreg:$0x0];
	s2 =	stileid.u32  }
0xdc: {  	s1 =	rddreg [dreg:$0x1];
	p0 =	sne.s32 s2, $0x0  }
0xdd: {  	s3 =	rddreg [dreg:$0x2];
	[bflag:$0x3] =	sbarrier.arrive $0xFFFF;
	s2 =	simm.s32 @!p0 $0x1C06  }
0xde: {  	[timem:s3], [sflag:s2] =	dma.local @!p0 [hbm:s0], s1  }
0xdf: {  	s0 =	simm.s32 @!p0 $0x6  }
0xe0: {  	_ =	swait.ge @!p0 [sflag:s0], s1  }
0xe1: {  	s1 =	ssub.s32 @!p0 $0x0, s1;
	[sflag:s0] =	ssyncset.done @!p0 $0x0  }
0xe2: {  	[sflag:s0] =	ssyncadd.s32 @!p0 s1  }
0xe3: {  	[bflag:$0x3] =	sbarrier.arrive $0xFFFF  }
0xe4: {  	_ =	shalt  }

</sc_bundles>
